<compile_context>
chip_gen: v7x
topology: tpu7x:2x2x1
jax: 0.10.2.dev20260603
libtpu: 0.0.44.dev20260713+nightly
codegen_flags: <defaults>
</compile_context>

<pallas_src>
import jax
import jax.numpy as jnp
from jax import lax
from jax.experimental import pallas as pl
from jax.experimental.pallas import tpu as pltpu
from jax.experimental.pallas import tpu_sc as plsc

NUM_CORES = 2
NUM_SUBCORES = 16
NUM_WORKERS = NUM_CORES * NUM_SUBCORES
LANES = 16
NBUF = 4
PAD = 128


def _build(batch, seq, feat, scale):
    bpw = batch // NUM_WORKERS
    ftiles = feat // 8
    dims = (seq, batch // bpw, bpw, PAD)
    assert bpw == 128 and seq % NBUF == 0 and seq >= 3 * NBUF

    skew = 33

    def body(idx_hbm, table_hbm, out_hbm,
             idx_v, idx_t, gbuf, gsems, ssems):
        wid = lax.axis_index("s") * NUM_CORES + lax.axis_index("c")
        iota = lax.iota(jnp.int32, LANES)

        pltpu.sync_copy(idx_hbm.at[pl.ds(wid * bpw, bpw)], idx_v)

        @pl.loop(0, seq)
        def _(s):
            svec = jnp.full((LANES,), s, jnp.int32)
            for b0 in range(0, bpw, LANES):
                v = plsc.load_gather(idx_v, [b0 + iota, svec])
                idx_t[s, pl.ds(b0, LANES)] = v * scale

        def fire_gather(s, k):
            pltpu.async_copy(table_hbm.at[idx_t.at[s]], gbuf.at[k], gsems.at[k])

        def wait_gather(k):
            pltpu.make_async_copy(
                table_hbm.at[pl.ds(0, bpw)], gbuf.at[k], gsems.at[k]
            ).wait()

        def fire_store(s, k):
            pltpu.async_copy(
                gbuf.at[k], out_hbm.at[s, wid, :, pl.ds(0, feat)], ssems.at[k])

        def wait_store(k):
            pltpu.make_async_copy(
                gbuf.at[k], out_hbm.at[0, 0, :, pl.ds(0, feat)], ssems.at[k]
            ).wait()

        for k in range(NBUF):
            fire_gather(k, k)
        for k in range(NBUF):
            wait_gather(k)
            fire_store(k, k)

        @pl.loop(NBUF, seq, step=NBUF)
        def _(t):
            for k in range(NBUF):
                wait_store(k)
                fire_gather(t + k, k)
            for k in range(NBUF):
                wait_gather(k)
                fire_store(t + k, k)

        for k in range(NBUF):
            wait_store(k)

    return pl.kernel(
        body,
        out_type=jax.ShapeDtypeStruct(dims, jnp.float32),
        mesh=plsc.VectorSubcoreMesh(core_axis_name="c", subcore_axis_name="s"),
        scratch_types=[
            pltpu.VMEM((bpw, seq), jnp.int32),
            pltpu.VMEM((seq, bpw), jnp.int32),
            pltpu.VMEM((NBUF, bpw, feat), jnp.float32),
            pltpu.SemaphoreType.DMA((NBUF,)),
            pltpu.SemaphoreType.DMA((NBUF,)),
        ],
        compiler_params=pltpu.CompilerParams(use_tc_tiling_on_sc=False, needs_layout_passes=False),
    )


_PACK_BLK = 16384


def _pack_table(emb_t):
    feat, n = emb_t.shape

    def body(in_ref, out_ref):
        y = in_ref[...].T
        out_ref[...] = jnp.concatenate(
            [y, jnp.zeros((_PACK_BLK, PAD - feat), jnp.float32)], axis=1)

    return pl.pallas_call(
        body,
        grid=(pl.cdiv(n, _PACK_BLK),),
        in_specs=[pl.BlockSpec((feat, _PACK_BLK), lambda i: (0, i))],
        out_specs=pl.BlockSpec((_PACK_BLK, PAD), lambda i: (i, 0)),
        out_shape=jax.ShapeDtypeStruct((n, PAD), jnp.float32),
    )(emb_t)


def _unpack_out(raw, feat):
    seq, batch, _ = raw.shape

    def body(in_ref, out_ref):
        out_ref[0] = in_ref[0][:, :feat].T

    return pl.pallas_call(
        body,
        grid=(seq,),
        in_specs=[pl.BlockSpec((1, batch, PAD), lambda i: (i, 0, 0))],
        out_specs=pl.BlockSpec((1, feat, batch), lambda i: (i, 0, 0)),
        out_shape=jax.ShapeDtypeStruct((seq, feat, batch), jnp.float32),
    )(raw)


def kernel(inputs, embedding):
    batch, seq = inputs.shape
    nemb, feat = embedding.shape
    scale = PAD // feat
    table = _pack_table(embedding.T).reshape(nemb * scale, feat)
    raw = _build(batch, seq, feat, scale)(inputs, table)
    sfb = _unpack_out(raw.reshape(seq, batch, PAD), feat)
    return sfb.transpose(2, 0, 1)

# --- scband reference (transcript-rebuilt; emitter-appended) ---
"""Pipeline reference for scband-embedding-22832046145964 (READ-ONLY COPY).

The authoritative reference and input builder live on the scoring server;
editing this copy changes nothing except your own understanding.
"""

import jax, jax.numpy as jnp
import numpy as np

NUM_EMBEDDINGS = 1000000
FEATURES = 32
BATCH = 4096
SEQ_LEN = 200

def setup_inputs(seed: int = 0) -> dict:
    key = jax.random.key(seed)
    k_idx, k_emb = jax.random.split(key)
    inputs = jax.random.randint(k_idx, (BATCH, SEQ_LEN), 0, NUM_EMBEDDINGS, dtype=jnp.int64 if jax.config.jax_enable_x64 else jnp.int32)
    embedding = (jax.random.normal(k_emb, (NUM_EMBEDDINGS, FEATURES), dtype=jnp.float32) * 0.1)
    return {"inputs": inputs, "embedding": embedding}

def reference(inputs, embedding):
    # Faithful translation of Embedding.apply in eval mode:
    # train=False so word_dropout and dropout are no-ops; frozen=False so no stop_gradient.
    embedded_inputs = jnp.take(embedding, inputs, axis=0)
    return embedded_inputs

if __name__ == "__main__":
    import jax
    _d = setup_inputs()
    print(jax.jit(kernel)(*tuple(_d.values())))

</pallas_src>

<mosaic_0001>
#map = affine_map<(d0, d1) -> (0, 0)>
#map1 = affine_map<(d0, d1) -> (0, 0, 0, 0)>
module attributes {stable_mosaic.version = 14 : i64} {
  func.func @body(%arg0: i32, %arg1: i32, %arg2: memref<4096x200xi32, #tpu.memory_space<hbm>>, %arg3: memref<4000000x32xf32, #tpu.memory_space<hbm>>, %arg4: memref<200x32x128x128xf32, #tpu.memory_space<hbm>>, %arg5: memref<128x200xi32, #tpu.memory_space<vmem>>, %arg6: memref<200x128xi32, #tpu.memory_space<vmem>>, %arg7: memref<4x128x32xf32, #tpu.memory_space<vmem>>, %arg8: memref<4x!tpu.dma_semaphore, #tpu.memory_space<semaphore_mem>>, %arg9: memref<4x!tpu.dma_semaphore, #tpu.memory_space<semaphore_mem>>) attributes {dimension_semantics = [#tpu.dimension_semantics<core_parallel>, #tpu.dimension_semantics<subcore_parallel>], iteration_bounds = array<i64: 2, 16>, scalar_prefetch = 0 : i64, scratch_operands = 5 : i64, tpu.core_type = #tpu.core_type<sc_vector_subcore>, window_params = [{transform_indices = #map}, {transform_indices = #map}, {transform_indices = #map1}]} {
    %mul3A = arith.constant 2 : i32
    %mul3A_0 = arith.muli %arg1, %mul3A : i32
    %add3A = arith.addi %mul3A_0, %arg0 : i32
    %iota3A = tpu.iota {dimensions = array<i32: 0>} : vector<16xi32>
    %mul3A_1 = arith.constant 128 : i32
    %mul3A_2 = arith.muli %add3A, %mul3A_1 : i32
    "tpu.region"() ({
      %run_scoped3A = tpu.sem_alloc : memref<!tpu.dma_semaphore, #tpu.memory_space<semaphore_mem>>
      %dma_start3A_314 = arith.constant 0 : i32
      %dma_start3A_315 = tpu.memref_slice %arg2[%mul3A_2, %dma_start3A_314] : memref<4096x200xi32, #tpu.memory_space<hbm>> -> memref<128x200xi32, #tpu.memory_space<hbm>>
      %dma_start3A_316 = arith.constant 0 : i32
      %dma_start3A_317 = tpu.memref_slice %arg2[%mul3A_2, %dma_start3A_316] : memref<4096x200xi32, #tpu.memory_space<hbm>> -> memref<128x200xi32, #tpu.memory_space<hbm>>
      tpu.enqueue_dma source(%dma_start3A_317 : memref<128x200xi32, #tpu.memory_space<hbm>>) target(%arg5 : memref<128x200xi32, #tpu.memory_space<vmem>>) target_semaphore(%run_scoped3A : memref<!tpu.dma_semaphore, #tpu.memory_space<semaphore_mem>>)
      %dma_wait3A_318 = arith.constant 0 : i32
      %dma_wait3A_319 = tpu.memref_slice %arg2[%mul3A_2, %dma_wait3A_318] : memref<4096x200xi32, #tpu.memory_space<hbm>> -> memref<128x200xi32, #tpu.memory_space<hbm>>
      %dma_wait3A_320 = arith.constant 0 : i32
      %dma_wait3A_321 = tpu.memref_slice %arg2[%mul3A_2, %dma_wait3A_320] : memref<4096x200xi32, #tpu.memory_space<hbm>> -> memref<128x200xi32, #tpu.memory_space<hbm>>
      tpu.wait_dma2 semaphore(%run_scoped3A : memref<!tpu.dma_semaphore, #tpu.memory_space<semaphore_mem>>) src(%dma_wait3A_321 : memref<128x200xi32, #tpu.memory_space<hbm>>) dst(%arg5 : memref<128x200xi32, #tpu.memory_space<vmem>>)
      tpu.yield
    }) : () -> ()
    %scan3A = arith.constant 0 : i32
    %scan3A_3 = arith.constant 200 : i32
    %scan3A_4 = arith.addi %scan3A, %scan3A_3 : i32
    %scan3A_5 = arith.constant 1 : i32
    scf.for %scan3A_314 = %scan3A to %scan3A_4 step %scan3A_5  : i32 {
      %mul3A_315 = arith.constant 1 : i32
      %mul3A_316 = arith.muli %scan3A_314, %mul3A_315 : i32
      %add3A_317 = arith.constant 0 : i32
      %add3A_318 = arith.addi %add3A_317, %mul3A_316 : i32
      %broadcast_in_dim3A = vector.broadcast %add3A_318 : i32 to vector<16xi32>
      %add3A_319 = arith.constant 0 : i32
      %add3A_320 = vector.broadcast %add3A_319 : i32 to vector<16xi32>
      %add3A_321 = arith.addi %add3A_320, %iota3A : vector<16xi32>
      %gather3A = tpu.vector_load_idx %arg5[%add3A_321, %broadcast_in_dim3A] : memref<128x200xi32, #tpu.memory_space<vmem>>[vector<16xi32>, vector<16xi32>], vector<16xi32>,
      %mul3A_322 = arith.constant 4 : i32
      %mul3A_323 = vector.broadcast %mul3A_322 : i32 to vector<16xi32>
      %mul3A_324 = arith.muli %gather3A, %mul3A_323 : vector<16xi32>
      %swap3A = arith.index_cast %add3A_318 : i32 to index
      %swap3A_325 = arith.constant 0 : index
      %swap3A_326 = tpu.vector_load %arg6[%swap3A, %swap3A_325] {strides = array<i32>} : memref<200x128xi32, #tpu.memory_space<vmem>>, vector<16xi32>,
      tpu.vector_store %arg6[%swap3A, %swap3A_325], %mul3A_324 {strides = array<i32>} : memref<200x128xi32, #tpu.memory_space<vmem>>, vector<16xi32>,
      %add3A_327 = arith.constant 16 : i32
      %add3A_328 = vector.broadcast %add3A_327 : i32 to vector<16xi32>
      %add3A_329 = arith.addi %add3A_328, %iota3A : vector<16xi32>
      %gather3A_330 = tpu.vector_load_idx %arg5[%add3A_329, %broadcast_in_dim3A] : memref<128x200xi32, #tpu.memory_space<vmem>>[vector<16xi32>, vector<16xi32>], vector<16xi32>,
      %mul3A_331 = arith.constant 4 : i32
      %mul3A_332 = vector.broadcast %mul3A_331 : i32 to vector<16xi32>
      %mul3A_333 = arith.muli %gather3A_330, %mul3A_332 : vector<16xi32>
      %swap3A_334 = arith.index_cast %add3A_318 : i32 to index
      %swap3A_335 = arith.constant 16 : index
      %swap3A_336 = tpu.vector_load %arg6[%swap3A_334, %swap3A_335] {strides = array<i32>} : memref<200x128xi32, #tpu.memory_space<vmem>>, vector<16xi32>,
      tpu.vector_store %arg6[%swap3A_334, %swap3A_335], %mul3A_333 {strides = array<i32>} : memref<200x128xi32, #tpu.memory_space<vmem>>, vector<16xi32>,
      %add3A_337 = arith.constant 32 : i32
      %add3A_338 = vector.broadcast %add3A_337 : i32 to vector<16xi32>
      %add3A_339 = arith.addi %add3A_338, %iota3A : vector<16xi32>
      %gather3A_340 = tpu.vector_load_idx %arg5[%add3A_339, %broadcast_in_dim3A] : memref<128x200xi32, #tpu.memory_space<vmem>>[vector<16xi32>, vector<16xi32>], vector<16xi32>,
      %mul3A_341 = arith.constant 4 : i32
      %mul3A_342 = vector.broadcast %mul3A_341 : i32 to vector<16xi32>
      %mul3A_343 = arith.muli %gather3A_340, %mul3A_342 : vector<16xi32>
      %swap3A_344 = arith.index_cast %add3A_318 : i32 to index
      %swap3A_345 = arith.constant 32 : index
      %swap3A_346 = tpu.vector_load %arg6[%swap3A_344, %swap3A_345] {strides = array<i32>} : memref<200x128xi32, #tpu.memory_space<vmem>>, vector<16xi32>,
      tpu.vector_store %arg6[%swap3A_344, %swap3A_345], %mul3A_343 {strides = array<i32>} : memref<200x128xi32, #tpu.memory_space<vmem>>, vector<16xi32>,
      %add3A_347 = arith.constant 48 : i32
      %add3A_348 = vector.broadcast %add3A_347 : i32 to vector<16xi32>
      %add3A_349 = arith.addi %add3A_348, %iota3A : vector<16xi32>
      %gather3A_350 = tpu.vector_load_idx %arg5[%add3A_349, %broadcast_in_dim3A] : memref<128x200xi32, #tpu.memory_space<vmem>>[vector<16xi32>, vector<16xi32>], vector<16xi32>,
      %mul3A_351 = arith.constant 4 : i32
      %mul3A_352 = vector.broadcast %mul3A_351 : i32 to vector<16xi32>
      %mul3A_353 = arith.muli %gather3A_350, %mul3A_352 : vector<16xi32>
      %swap3A_354 = arith.index_cast %add3A_318 : i32 to index
      %swap3A_355 = arith.constant 48 : index
      %swap3A_356 = tpu.vector_load %arg6[%swap3A_354, %swap3A_355] {strides = array<i32>} : memref<200x128xi32, #tpu.memory_space<vmem>>, vector<16xi32>,
      tpu.vector_store %arg6[%swap3A_354, %swap3A_355], %mul3A_353 {strides = array<i32>} : memref<200x128xi32, #tpu.memory_space<vmem>>, vector<16xi32>,
      %add3A_357 = arith.constant 64 : i32
      %add3A_358 = vector.broadcast %add3A_357 : i32 to vector<16xi32>
      %add3A_359 = arith.addi %add3A_358, %iota3A : vector<16xi32>
      %gather3A_360 = tpu.vector_load_idx %arg5[%add3A_359, %broadcast_in_dim3A] : memref<128x200xi32, #tpu.memory_space<vmem>>[vector<16xi32>, vector<16xi32>], vector<16xi32>,
      %mul3A_361 = arith.constant 4 : i32
      %mul3A_362 = vector.broadcast %mul3A_361 : i32 to vector<16xi32>
      %mul3A_363 = arith.muli %gather3A_360, %mul3A_362 : vector<16xi32>
      %swap3A_364 = arith.index_cast %add3A_318 : i32 to index
      %swap3A_365 = arith.constant 64 : index
      %swap3A_366 = tpu.vector_load %arg6[%swap3A_364, %swap3A_365] {strides = array<i32>} : memref<200x128xi32, #tpu.memory_space<vmem>>, vector<16xi32>,
      tpu.vector_store %arg6[%swap3A_364, %swap3A_365], %mul3A_363 {strides = array<i32>} : memref<200x128xi32, #tpu.memory_space<vmem>>, vector<16xi32>,
      %add3A_367 = arith.constant 80 : i32
      %add3A_368 = vector.broadcast %add3A_367 : i32 to vector<16xi32>
      %add3A_369 = arith.addi %add3A_368, %iota3A : vector<16xi32>
      %gather3A_370 = tpu.vector_load_idx %arg5[%add3A_369, %broadcast_in_dim3A] : memref<128x200xi32, #tpu.memory_space<vmem>>[vector<16xi32>, vector<16xi32>], vector<16xi32>,
      %mul3A_371 = arith.constant 4 : i32
      %mul3A_372 = vector.broadcast %mul3A_371 : i32 to vector<16xi32>
      %mul3A_373 = arith.muli %gather3A_370, %mul3A_372 : vector<16xi32>
      %swap3A_374 = arith.index_cast %add3A_318 : i32 to index
      %swap3A_375 = arith.constant 80 : index
      %swap3A_376 = tpu.vector_load %arg6[%swap3A_374, %swap3A_375] {strides = array<i32>} : memref<200x128xi32, #tpu.memory_space<vmem>>, vector<16xi32>,
      tpu.vector_store %arg6[%swap3A_374, %swap3A_375], %mul3A_373 {strides = array<i32>} : memref<200x128xi32, #tpu.memory_space<vmem>>, vector<16xi32>,
      %add3A_377 = arith.constant 96 : i32
      %add3A_378 = vector.broadcast %add3A_377 : i32 to vector<16xi32>
      %add3A_379 = arith.addi %add3A_378, %iota3A : vector<16xi32>
      %gather3A_380 = tpu.vector_load_idx %arg5[%add3A_379, %broadcast_in_dim3A] : memref<128x200xi32, #tpu.memory_space<vmem>>[vector<16xi32>, vector<16xi32>], vector<16xi32>,
      %mul3A_381 = arith.constant 4 : i32
      %mul3A_382 = vector.broadcast %mul3A_381 : i32 to vector<16xi32>
      %mul3A_383 = arith.muli %gather3A_380, %mul3A_382 : vector<16xi32>
      %swap3A_384 = arith.index_cast %add3A_318 : i32 to index
      %swap3A_385 = arith.constant 96 : index
      %swap3A_386 = tpu.vector_load %arg6[%swap3A_384, %swap3A_385] {strides = array<i32>} : memref<200x128xi32, #tpu.memory_space<vmem>>, vector<16xi32>,
      tpu.vector_store %arg6[%swap3A_384, %swap3A_385], %mul3A_383 {strides = array<i32>} : memref<200x128xi32, #tpu.memory_space<vmem>>, vector<16xi32>,
      %add3A_387 = arith.constant 112 : i32
      %add3A_388 = vector.broadcast %add3A_387 : i32 to vector<16xi32>
      %add3A_389 = arith.addi %add3A_388, %iota3A : vector<16xi32>
      %gather3A_390 = tpu.vector_load_idx %arg5[%add3A_389, %broadcast_in_dim3A] : memref<128x200xi32, #tpu.memory_space<vmem>>[vector<16xi32>, vector<16xi32>], vector<16xi32>,
      %mul3A_391 = arith.constant 4 : i32
      %mul3A_392 = vector.broadcast %mul3A_391 : i32 to vector<16xi32>
      %mul3A_393 = arith.muli %gather3A_390, %mul3A_392 : vector<16xi32>
      %swap3A_394 = arith.index_cast %add3A_318 : i32 to index
      %swap3A_395 = arith.constant 112 : index
      %swap3A_396 = tpu.vector_load %arg6[%swap3A_394, %swap3A_395] {strides = array<i32>} : memref<200x128xi32, #tpu.memory_space<vmem>>, vector<16xi32>,
      tpu.vector_store %arg6[%swap3A_394, %swap3A_395], %mul3A_393 {strides = array<i32>} : memref<200x128xi32, #tpu.memory_space<vmem>>, vector<16xi32>,
    }
    %scan3A_6 = arith.constant 200 : i32
    %dma_start3A = arith.constant 0 : i32
    %dma_start3A_7 = arith.constant 0 : i32
    %dma_start3A_8 = arith.constant 0 : i32
    %dma_start3A_9 = arith.constant 0 : i32
    %dma_start3A_10 = arith.constant 0 : i32
    %dma_start3A_11 = tpu.memref_slice %arg7[%dma_start3A_7, %dma_start3A_9, %dma_start3A_10] : memref<4x128x32xf32, #tpu.memory_space<vmem>> -> memref<1x128x32xf32, #tpu.memory_space<vmem>>
    %dma_start3A_12 = tpu.memref_squeeze %dma_start3A_11 : memref<1x128x32xf32, #tpu.memory_space<vmem>> -> memref<128x32xf32, #tpu.memory_space<vmem>>
    %dma_start3A_13 = arith.constant 0 : i32
    %dma_start3A_14 = tpu.memref_slice %arg6[%dma_start3A, %dma_start3A_13] : memref<200x128xi32, #tpu.memory_space<vmem>> -> memref<1x128xi32, #tpu.memory_space<vmem>>
    %dma_start3A_15 = tpu.memref_squeeze %dma_start3A_14 : memref<1x128xi32, #tpu.memory_space<vmem>> -> memref<128xi32, #tpu.memory_space<vmem>>
    %dma_start3A_16 = arith.constant 0 : i32
    %dma_start3A_17 = arith.constant 0 : i32
    %dma_start3A_18 = tpu.memref_slice %arg3[%dma_start3A_16, %dma_start3A_17] : memref<4000000x32xf32, #tpu.memory_space<hbm>> -> memref<4000000x32xf32, #tpu.memory_space<hbm>>
    %dma_start3A_19 = tpu.memref_slice %arg8[%dma_start3A_8] : memref<4x!tpu.dma_semaphore, #tpu.memory_space<semaphore_mem>> -> memref<1x!tpu.dma_semaphore, #tpu.memory_space<semaphore_mem>>
    %dma_start3A_20 = tpu.memref_squeeze %dma_start3A_19 : memref<1x!tpu.dma_semaphore, #tpu.memory_space<semaphore_mem>> -> memref<!tpu.dma_semaphore, #tpu.memory_space<semaphore_mem>>
    tpu.enqueue_indirect_dma source(%dma_start3A_18 : memref<4000000x32xf32, #tpu.memory_space<hbm>>) target(%dma_start3A_12 : memref<128x32xf32, #tpu.memory_space<vmem>>) offsets(%dma_start3A_15 : memref<128xi32, #tpu.memory_space<vmem>>) semaphore(%dma_start3A_20 : memref<!tpu.dma_semaphore, #tpu.memory_space<semaphore_mem>>)
    %dma_start3A_21 = arith.constant 1 : i32
    %dma_start3A_22 = arith.constant 1 : i32
    %dma_start3A_23 = arith.constant 1 : i32
    %dma_start3A_24 = arith.constant 0 : i32
    %dma_start3A_25 = arith.constant 0 : i32
    %dma_start3A_26 = tpu.memref_slice %arg7[%dma_start3A_22, %dma_start3A_24, %dma_start3A_25] : memref<4x128x32xf32, #tpu.memory_space<vmem>> -> memref<1x128x32xf32, #tpu.memory_space<vmem>>
    %dma_start3A_27 = tpu.memref_squeeze %dma_start3A_26 : memref<1x128x32xf32, #tpu.memory_space<vmem>> -> memref<128x32xf32, #tpu.memory_space<vmem>>
    %dma_start3A_28 = arith.constant 0 : i32
    %dma_start3A_29 = tpu.memref_slice %arg6[%dma_start3A_21, %dma_start3A_28] : memref<200x128xi32, #tpu.memory_space<vmem>> -> memref<1x128xi32, #tpu.memory_space<vmem>>
    %dma_start3A_30 = tpu.memref_squeeze %dma_start3A_29 : memref<1x128xi32, #tpu.memory_space<vmem>> -> memref<128xi32, #tpu.memory_space<vmem>>
    %dma_start3A_31 = arith.constant 0 : i32
    %dma_start3A_32 = arith.constant 0 : i32
    %dma_start3A_33 = tpu.memref_slice %arg3[%dma_start3A_31, %dma_start3A_32] : memref<4000000x32xf32, #tpu.memory_space<hbm>> -> memref<4000000x32xf32, #tpu.memory_space<hbm>>
    %dma_start3A_34 = tpu.memref_slice %arg8[%dma_start3A_23] : memref<4x!tpu.dma_semaphore, #tpu.memory_space<semaphore_mem>> -> memref<1x!tpu.dma_semaphore, #tpu.memory_space<semaphore_mem>>
    %dma_start3A_35 = tpu.memref_squeeze %dma_start3A_34 : memref<1x!tpu.dma_semaphore, #tpu.memory_space<semaphore_mem>> -> memref<!tpu.dma_semaphore, #tpu.memory_space<semaphore_mem>>
    tpu.enqueue_indirect_dma source(%dma_start3A_33 : memref<4000000x32xf32, #tpu.memory_space<hbm>>) target(%dma_start3A_27 : memref<128x32xf32, #tpu.memory_space<vmem>>) offsets(%dma_start3A_30 : memref<128xi32, #tpu.memory_space<vmem>>) semaphore(%dma_start3A_35 : memref<!tpu.dma_semaphore, #tpu.memory_space<semaphore_mem>>)
    %dma_start3A_36 = arith.constant 2 : i32
    %dma_start3A_37 = arith.constant 2 : i32
    %dma_start3A_38 = arith.constant 2 : i32
    %dma_start3A_39 = arith.constant 0 : i32
    %dma_start3A_40 = arith.constant 0 : i32
    %dma_start3A_41 = tpu.memref_slice %arg7[%dma_start3A_37, %dma_start3A_39, %dma_start3A_40] : memref<4x128x32xf32, #tpu.memory_space<vmem>> -> memref<1x128x32xf32, #tpu.memory_space<vmem>>
    %dma_start3A_42 = tpu.memref_squeeze %dma_start3A_41 : memref<1x128x32xf32, #tpu.memory_space<vmem>> -> memref<128x32xf32, #tpu.memory_space<vmem>>
    %dma_start3A_43 = arith.constant 0 : i32
    %dma_start3A_44 = tpu.memref_slice %arg6[%dma_start3A_36, %dma_start3A_43] : memref<200x128xi32, #tpu.memory_space<vmem>> -> memref<1x128xi32, #tpu.memory_space<vmem>>
    %dma_start3A_45 = tpu.memref_squeeze %dma_start3A_44 : memref<1x128xi32, #tpu.memory_space<vmem>> -> memref<128xi32, #tpu.memory_space<vmem>>
    %dma_start3A_46 = arith.constant 0 : i32
    %dma_start3A_47 = arith.constant 0 : i32
    %dma_start3A_48 = tpu.memref_slice %arg3[%dma_start3A_46, %dma_start3A_47] : memref<4000000x32xf32, #tpu.memory_space<hbm>> -> memref<4000000x32xf32, #tpu.memory_space<hbm>>
    %dma_start3A_49 = tpu.memref_slice %arg8[%dma_start3A_38] : memref<4x!tpu.dma_semaphore, #tpu.memory_space<semaphore_mem>> -> memref<1x!tpu.dma_semaphore, #tpu.memory_space<semaphore_mem>>
    %dma_start3A_50 = tpu.memref_squeeze %dma_start3A_49 : memref<1x!tpu.dma_semaphore, #tpu.memory_space<semaphore_mem>> -> memref<!tpu.dma_semaphore, #tpu.memory_space<semaphore_mem>>
    tpu.enqueue_indirect_dma source(%dma_start3A_48 : memref<4000000x32xf32, #tpu.memory_space<hbm>>) target(%dma_start3A_42 : memref<128x32xf32, #tpu.memory_space<vmem>>) offsets(%dma_start3A_45 : memref<128xi32, #tpu.memory_space<vmem>>) semaphore(%dma_start3A_50 : memref<!tpu.dma_semaphore, #tpu.memory_space<semaphore_mem>>)
    %dma_start3A_51 = arith.constant 3 : i32
    %dma_start3A_52 = arith.constant 3 : i32
    %dma_start3A_53 = arith.constant 3 : i32
    %dma_start3A_54 = arith.constant 0 : i32
    %dma_start3A_55 = arith.constant 0 : i32
    %dma_start3A_56 = tpu.memref_slice %arg7[%dma_start3A_52, %dma_start3A_54, %dma_start3A_55] : memref<4x128x32xf32, #tpu.memory_space<vmem>> -> memref<1x128x32xf32, #tpu.memory_space<vmem>>
    %dma_start3A_57 = tpu.memref_squeeze %dma_start3A_56 : memref<1x128x32xf32, #tpu.memory_space<vmem>> -> memref<128x32xf32, #tpu.memory_space<vmem>>
    %dma_start3A_58 = arith.constant 0 : i32
    %dma_start3A_59 = tpu.memref_slice %arg6[%dma_start3A_51, %dma_start3A_58] : memref<200x128xi32, #tpu.memory_space<vmem>> -> memref<1x128xi32, #tpu.memory_space<vmem>>
    %dma_start3A_60 = tpu.memref_squeeze %dma_start3A_59 : memref<1x128xi32, #tpu.memory_space<vmem>> -> memref<128xi32, #tpu.memory_space<vmem>>
    %dma_start3A_61 = arith.constant 0 : i32
    %dma_start3A_62 = arith.constant 0 : i32
    %dma_start3A_63 = tpu.memref_slice %arg3[%dma_start3A_61, %dma_start3A_62] : memref<4000000x32xf32, #tpu.memory_space<hbm>> -> memref<4000000x32xf32, #tpu.memory_space<hbm>>
    %dma_start3A_64 = tpu.memref_slice %arg8[%dma_start3A_53] : memref<4x!tpu.dma_semaphore, #tpu.memory_space<semaphore_mem>> -> memref<1x!tpu.dma_semaphore, #tpu.memory_space<semaphore_mem>>
    %dma_start3A_65 = tpu.memref_squeeze %dma_start3A_64 : memref<1x!tpu.dma_semaphore, #tpu.memory_space<semaphore_mem>> -> memref<!tpu.dma_semaphore, #tpu.memory_space<semaphore_mem>>
    tpu.enqueue_indirect_dma source(%dma_start3A_63 : memref<4000000x32xf32, #tpu.memory_space<hbm>>) target(%dma_start3A_57 : memref<128x32xf32, #tpu.memory_space<vmem>>) offsets(%dma_start3A_60 : memref<128xi32, #tpu.memory_space<vmem>>) semaphore(%dma_start3A_65 : memref<!tpu.dma_semaphore, #tpu.memory_space<semaphore_mem>>)
    %dma_wait3A = arith.constant 0 : i32
    %dma_wait3A_66 = arith.constant 0 : i32
    %dma_wait3A_67 = arith.constant 0 : i32
    %dma_wait3A_68 = arith.constant 0 : i32
    %dma_wait3A_69 = tpu.memref_slice %arg7[%dma_wait3A, %dma_wait3A_67, %dma_wait3A_68] : memref<4x128x32xf32, #tpu.memory_space<vmem>> -> memref<1x128x32xf32, #tpu.memory_space<vmem>>
    %dma_wait3A_70 = tpu.memref_squeeze %dma_wait3A_69 : memref<1x128x32xf32, #tpu.memory_space<vmem>> -> memref<128x32xf32, #tpu.memory_space<vmem>>
    %dma_wait3A_71 = arith.constant 0 : i32
    %dma_wait3A_72 = arith.constant 0 : i32
    %dma_wait3A_73 = tpu.memref_slice %arg3[%dma_wait3A_71, %dma_wait3A_72] : memref<4000000x32xf32, #tpu.memory_space<hbm>> -> memref<128x32xf32, #tpu.memory_space<hbm>>
    %dma_wait3A_74 = tpu.memref_slice %arg8[%dma_wait3A_66] : memref<4x!tpu.dma_semaphore, #tpu.memory_space<semaphore_mem>> -> memref<1x!tpu.dma_semaphore, #tpu.memory_space<semaphore_mem>>
    %dma_wait3A_75 = tpu.memref_squeeze %dma_wait3A_74 : memref<1x!tpu.dma_semaphore, #tpu.memory_space<semaphore_mem>> -> memref<!tpu.dma_semaphore, #tpu.memory_space<semaphore_mem>>
    %dma_wait3A_76 = arith.constant 0 : i32
    %dma_wait3A_77 = arith.constant 0 : i32
    %dma_wait3A_78 = tpu.memref_slice %arg7[%dma_wait3A, %dma_wait3A_76, %dma_wait3A_77] : memref<4x128x32xf32, #tpu.memory_space<vmem>> -> memref<1x128x32xf32, #tpu.memory_space<vmem>>
    %dma_wait3A_79 = tpu.memref_squeeze %dma_wait3A_78 : memref<1x128x32xf32, #tpu.memory_space<vmem>> -> memref<128x32xf32, #tpu.memory_space<vmem>>
    %dma_wait3A_80 = arith.constant 0 : i32
    %dma_wait3A_81 = arith.constant 0 : i32
    %dma_wait3A_82 = tpu.memref_slice %arg3[%dma_wait3A_80, %dma_wait3A_81] : memref<4000000x32xf32, #tpu.memory_space<hbm>> -> memref<128x32xf32, #tpu.memory_space<hbm>>
    tpu.wait_dma2 semaphore(%dma_wait3A_75 : memref<!tpu.dma_semaphore, #tpu.memory_space<semaphore_mem>>) src(%dma_wait3A_82 : memref<128x32xf32, #tpu.memory_space<hbm>>) dst(%dma_wait3A_79 : memref<128x32xf32, #tpu.memory_space<vmem>>)
    %dma_start3A_83 = arith.constant 0 : i32
    %dma_start3A_84 = arith.constant 0 : i32
    %dma_start3A_85 = arith.constant 0 : i32
    %dma_start3A_86 = arith.constant 0 : i32
    %dma_start3A_87 = arith.constant 0 : i32
    %dma_start3A_88 = tpu.memref_slice %arg7[%dma_start3A_83, %dma_start3A_86, %dma_start3A_87] : memref<4x128x32xf32, #tpu.memory_space<vmem>> -> memref<1x128x32xf32, #tpu.memory_space<vmem>>
    %dma_start3A_89 = tpu.memref_squeeze %dma_start3A_88 : memref<1x128x32xf32, #tpu.memory_space<vmem>> -> memref<128x32xf32, #tpu.memory_space<vmem>>
    %dma_start3A_90 = arith.constant 0 : i32
    %dma_start3A_91 = arith.constant 0 : i32
    %dma_start3A_92 = tpu.memref_slice %arg4[%dma_start3A_84, %add3A, %dma_start3A_90, %dma_start3A_91] : memref<200x32x128x128xf32, #tpu.memory_space<hbm>> -> memref<1x1x128x32xf32, #tpu.memory_space<hbm>>
    %dma_start3A_93 = tpu.memref_squeeze %dma_start3A_92 : memref<1x1x128x32xf32, #tpu.memory_space<hbm>> -> memref<128x32xf32, #tpu.memory_space<hbm>>
    %dma_start3A_94 = tpu.memref_slice %arg9[%dma_start3A_85] : memref<4x!tpu.dma_semaphore, #tpu.memory_space<semaphore_mem>> -> memref<1x!tpu.dma_semaphore, #tpu.memory_space<semaphore_mem>>
    %dma_start3A_95 = tpu.memref_squeeze %dma_start3A_94 : memref<1x!tpu.dma_semaphore, #tpu.memory_space<semaphore_mem>> -> memref<!tpu.dma_semaphore, #tpu.memory_space<semaphore_mem>>
    %dma_start3A_96 = arith.constant 0 : i32
    %dma_start3A_97 = arith.constant 0 : i32
    %dma_start3A_98 = tpu.memref_slice %arg4[%dma_start3A_84, %add3A, %dma_start3A_96, %dma_start3A_97] : memref<200x32x128x128xf32, #tpu.memory_space<hbm>> -> memref<1x1x128x32xf32, #tpu.memory_space<hbm>>
    %dma_start3A_99 = tpu.memref_squeeze %dma_start3A_98 : memref<1x1x128x32xf32, #tpu.memory_space<hbm>> -> memref<128x32xf32, #tpu.memory_space<hbm>>
    %dma_start3A_100 = arith.constant 0 : i32
    %dma_start3A_101 = arith.constant 0 : i32
    %dma_start3A_102 = tpu.memref_slice %arg7[%dma_start3A_83, %dma_start3A_100, %dma_start3A_101] : memref<4x128x32xf32, #tpu.memory_space<vmem>> -> memref<1x128x32xf32, #tpu.memory_space<vmem>>
    %dma_start3A_103 = tpu.memref_squeeze %dma_start3A_102 : memref<1x128x32xf32, #tpu.memory_space<vmem>> -> memref<128x32xf32, #tpu.memory_space<vmem>>
    tpu.enqueue_dma source(%dma_start3A_103 : memref<128x32xf32, #tpu.memory_space<vmem>>) target(%dma_start3A_99 : memref<128x32xf32, #tpu.memory_space<hbm>>) target_semaphore(%dma_start3A_95 : memref<!tpu.dma_semaphore, #tpu.memory_space<semaphore_mem>>)
    %dma_wait3A_104 = arith.constant 1 : i32
    %dma_wait3A_105 = arith.constant 1 : i32
    %dma_wait3A_106 = arith.constant 0 : i32
    %dma_wait3A_107 = arith.constant 0 : i32
    %dma_wait3A_108 = tpu.memref_slice %arg7[%dma_wait3A_104, %dma_wait3A_106, %dma_wait3A_107] : memref<4x128x32xf32, #tpu.memory_space<vmem>> -> memref<1x128x32xf32, #tpu.memory_space<vmem>>
    %dma_wait3A_109 = tpu.memref_squeeze %dma_wait3A_108 : memref<1x128x32xf32, #tpu.memory_space<vmem>> -> memref<128x32xf32, #tpu.memory_space<vmem>>
    %dma_wait3A_110 = arith.constant 0 : i32
    %dma_wait3A_111 = arith.constant 0 : i32
    %dma_wait3A_112 = tpu.memref_slice %arg3[%dma_wait3A_110, %dma_wait3A_111] : memref<4000000x32xf32, #tpu.memory_space<hbm>> -> memref<128x32xf32, #tpu.memory_space<hbm>>
    %dma_wait3A_113 = tpu.memref_slice %arg8[%dma_wait3A_105] : memref<4x!tpu.dma_semaphore, #tpu.memory_space<semaphore_mem>> -> memref<1x!tpu.dma_semaphore, #tpu.memory_space<semaphore_mem>>
    %dma_wait3A_114 = tpu.memref_squeeze %dma_wait3A_113 : memref<1x!tpu.dma_semaphore, #tpu.memory_space<semaphore_mem>> -> memref<!tpu.dma_semaphore, #tpu.memory_space<semaphore_mem>>
    %dma_wait3A_115 = arith.constant 0 : i32
    %dma_wait3A_116 = arith.constant 0 : i32
    %dma_wait3A_117 = tpu.memref_slice %arg7[%dma_wait3A_104, %dma_wait3A_115, %dma_wait3A_116] : memref<4x128x32xf32, #tpu.memory_space<vmem>> -> memref<1x128x32xf32, #tpu.memory_space<vmem>>
    %dma_wait3A_118 = tpu.memref_squeeze %dma_wait3A_117 : memref<1x128x32xf32, #tpu.memory_space<vmem>> -> memref<128x32xf32, #tpu.memory_space<vmem>>
    %dma_wait3A_119 = arith.constant 0 : i32
    %dma_wait3A_120 = arith.constant 0 : i32
    %dma_wait3A_121 = tpu.memref_slice %arg3[%dma_wait3A_119, %dma_wait3A_120] : memref<4000000x32xf32, #tpu.memory_space<hbm>> -> memref<128x32xf32, #tpu.memory_space<hbm>>
    tpu.wait_dma2 semaphore(%dma_wait3A_114 : memref<!tpu.dma_semaphore, #tpu.memory_space<semaphore_mem>>) src(%dma_wait3A_121 : memref<128x32xf32, #tpu.memory_space<hbm>>) dst(%dma_wait3A_118 : memref<128x32xf32, #tpu.memory_space<vmem>>)
    %dma_start3A_122 = arith.constant 1 : i32
    %dma_start3A_123 = arith.constant 1 : i32
    %dma_start3A_124 = arith.constant 1 : i32
    %dma_start3A_125 = arith.constant 0 : i32
    %dma_start3A_126 = arith.constant 0 : i32
    %dma_start3A_127 = tpu.memref_slice %arg7[%dma_start3A_122, %dma_start3A_125, %dma_start3A_126] : memref<4x128x32xf32, #tpu.memory_space<vmem>> -> memref<1x128x32xf32, #tpu.memory_space<vmem>>
    %dma_start3A_128 = tpu.memref_squeeze %dma_start3A_127 : memref<1x128x32xf32, #tpu.memory_space<vmem>> -> memref<128x32xf32, #tpu.memory_space<vmem>>
    %dma_start3A_129 = arith.constant 0 : i32
    %dma_start3A_130 = arith.constant 0 : i32
    %dma_start3A_131 = tpu.memref_slice %arg4[%dma_start3A_123, %add3A, %dma_start3A_129, %dma_start3A_130] : memref<200x32x128x128xf32, #tpu.memory_space<hbm>> -> memref<1x1x128x32xf32, #tpu.memory_space<hbm>>
    %dma_start3A_132 = tpu.memref_squeeze %dma_start3A_131 : memref<1x1x128x32xf32, #tpu.memory_space<hbm>> -> memref<128x32xf32, #tpu.memory_space<hbm>>
    %dma_start3A_133 = tpu.memref_slice %arg9[%dma_start3A_124] : memref<4x!tpu.dma_semaphore, #tpu.memory_space<semaphore_mem>> -> memref<1x!tpu.dma_semaphore, #tpu.memory_space<semaphore_mem>>
    %dma_start3A_134 = tpu.memref_squeeze %dma_start3A_133 : memref<1x!tpu.dma_semaphore, #tpu.memory_space<semaphore_mem>> -> memref<!tpu.dma_semaphore, #tpu.memory_space<semaphore_mem>>
    %dma_start3A_135 = arith.constant 0 : i32
    %dma_start3A_136 = arith.constant 0 : i32
    %dma_start3A_137 = tpu.memref_slice %arg4[%dma_start3A_123, %add3A, %dma_start3A_135, %dma_start3A_136] : memref<200x32x128x128xf32, #tpu.memory_space<hbm>> -> memref<1x1x128x32xf32, #tpu.memory_space<hbm>>
    %dma_start3A_138 = tpu.memref_squeeze %dma_start3A_137 : memref<1x1x128x32xf32, #tpu.memory_space<hbm>> -> memref<128x32xf32, #tpu.memory_space<hbm>>
    %dma_start3A_139 = arith.constant 0 : i32
    %dma_start3A_140 = arith.constant 0 : i32
    %dma_start3A_141 = tpu.memref_slice %arg7[%dma_start3A_122, %dma_start3A_139, %dma_start3A_140] : memref<4x128x32xf32, #tpu.memory_space<vmem>> -> memref<1x128x32xf32, #tpu.memory_space<vmem>>
    %dma_start3A_142 = tpu.memref_squeeze %dma_start3A_141 : memref<1x128x32xf32, #tpu.memory_space<vmem>> -> memref<128x32xf32, #tpu.memory_space<vmem>>
    tpu.enqueue_dma source(%dma_start3A_142 : memref<128x32xf32, #tpu.memory_space<vmem>>) target(%dma_start3A_138 : memref<128x32xf32, #tpu.memory_space<hbm>>) target_semaphore(%dma_start3A_134 : memref<!tpu.dma_semaphore, #tpu.memory_space<semaphore_mem>>)
    %dma_wait3A_143 = arith.constant 2 : i32
    %dma_wait3A_144 = arith.constant 2 : i32
    %dma_wait3A_145 = arith.constant 0 : i32
    %dma_wait3A_146 = arith.constant 0 : i32
    %dma_wait3A_147 = tpu.memref_slice %arg7[%dma_wait3A_143, %dma_wait3A_145, %dma_wait3A_146] : memref<4x128x32xf32, #tpu.memory_space<vmem>> -> memref<1x128x32xf32, #tpu.memory_space<vmem>>
    %dma_wait3A_148 = tpu.memref_squeeze %dma_wait3A_147 : memref<1x128x32xf32, #tpu.memory_space<vmem>> -> memref<128x32xf32, #tpu.memory_space<vmem>>
    %dma_wait3A_149 = arith.constant 0 : i32
    %dma_wait3A_150 = arith.constant 0 : i32
    %dma_wait3A_151 = tpu.memref_slice %arg3[%dma_wait3A_149, %dma_wait3A_150] : memref<4000000x32xf32, #tpu.memory_space<hbm>> -> memref<128x32xf32, #tpu.memory_space<hbm>>
    %dma_wait3A_152 = tpu.memref_slice %arg8[%dma_wait3A_144] : memref<4x!tpu.dma_semaphore, #tpu.memory_space<semaphore_mem>> -> memref<1x!tpu.dma_semaphore, #tpu.memory_space<semaphore_mem>>
    %dma_wait3A_153 = tpu.memref_squeeze %dma_wait3A_152 : memref<1x!tpu.dma_semaphore, #tpu.memory_space<semaphore_mem>> -> memref<!tpu.dma_semaphore, #tpu.memory_space<semaphore_mem>>
    %dma_wait3A_154 = arith.constant 0 : i32
    %dma_wait3A_155 = arith.constant 0 : i32
    %dma_wait3A_156 = tpu.memref_slice %arg7[%dma_wait3A_143, %dma_wait3A_154, %dma_wait3A_155] : memref<4x128x32xf32, #tpu.memory_space<vmem>> -> memref<1x128x32xf32, #tpu.memory_space<vmem>>
    %dma_wait3A_157 = tpu.memref_squeeze %dma_wait3A_156 : memref<1x128x32xf32, #tpu.memory_space<vmem>> -> memref<128x32xf32, #tpu.memory_space<vmem>>
    %dma_wait3A_158 = arith.constant 0 : i32
    %dma_wait3A_159 = arith.constant 0 : i32
    %dma_wait3A_160 = tpu.memref_slice %arg3[%dma_wait3A_158, %dma_wait3A_159] : memref<4000000x32xf32, #tpu.memory_space<hbm>> -> memref<128x32xf32, #tpu.memory_space<hbm>>
    tpu.wait_dma2 semaphore(%dma_wait3A_153 : memref<!tpu.dma_semaphore, #tpu.memory_space<semaphore_mem>>) src(%dma_wait3A_160 : memref<128x32xf32, #tpu.memory_space<hbm>>) dst(%dma_wait3A_157 : memref<128x32xf32, #tpu.memory_space<vmem>>)
    %dma_start3A_161 = arith.constant 2 : i32
    %dma_start3A_162 = arith.constant 2 : i32
    %dma_start3A_163 = arith.constant 2 : i32
    %dma_start3A_164 = arith.constant 0 : i32
    %dma_start3A_165 = arith.constant 0 : i32
    %dma_start3A_166 = tpu.memref_slice %arg7[%dma_start3A_161, %dma_start3A_164, %dma_start3A_165] : memref<4x128x32xf32, #tpu.memory_space<vmem>> -> memref<1x128x32xf32, #tpu.memory_space<vmem>>
    %dma_start3A_167 = tpu.memref_squeeze %dma_start3A_166 : memref<1x128x32xf32, #tpu.memory_space<vmem>> -> memref<128x32xf32, #tpu.memory_space<vmem>>
    %dma_start3A_168 = arith.constant 0 : i32
    %dma_start3A_169 = arith.constant 0 : i32
    %dma_start3A_170 = tpu.memref_slice %arg4[%dma_start3A_162, %add3A, %dma_start3A_168, %dma_start3A_169] : memref<200x32x128x128xf32, #tpu.memory_space<hbm>> -> memref<1x1x128x32xf32, #tpu.memory_space<hbm>>
    %dma_start3A_171 = tpu.memref_squeeze %dma_start3A_170 : memref<1x1x128x32xf32, #tpu.memory_space<hbm>> -> memref<128x32xf32, #tpu.memory_space<hbm>>
    %dma_start3A_172 = tpu.memref_slice %arg9[%dma_start3A_163] : memref<4x!tpu.dma_semaphore, #tpu.memory_space<semaphore_mem>> -> memref<1x!tpu.dma_semaphore, #tpu.memory_space<semaphore_mem>>
    %dma_start3A_173 = tpu.memref_squeeze %dma_start3A_172 : memref<1x!tpu.dma_semaphore, #tpu.memory_space<semaphore_mem>> -> memref<!tpu.dma_semaphore, #tpu.memory_space<semaphore_mem>>
    %dma_start3A_174 = arith.constant 0 : i32
    %dma_start3A_175 = arith.constant 0 : i32
    %dma_start3A_176 = tpu.memref_slice %arg4[%dma_start3A_162, %add3A, %dma_start3A_174, %dma_start3A_175] : memref<200x32x128x128xf32, #tpu.memory_space<hbm>> -> memref<1x1x128x32xf32, #tpu.memory_space<hbm>>
    %dma_start3A_177 = tpu.memref_squeeze %dma_start3A_176 : memref<1x1x128x32xf32, #tpu.memory_space<hbm>> -> memref<128x32xf32, #tpu.memory_space<hbm>>
    %dma_start3A_178 = arith.constant 0 : i32
    %dma_start3A_179 = arith.constant 0 : i32
    %dma_start3A_180 = tpu.memref_slice %arg7[%dma_start3A_161, %dma_start3A_178, %dma_start3A_179] : memref<4x128x32xf32, #tpu.memory_space<vmem>> -> memref<1x128x32xf32, #tpu.memory_space<vmem>>
    %dma_start3A_181 = tpu.memref_squeeze %dma_start3A_180 : memref<1x128x32xf32, #tpu.memory_space<vmem>> -> memref<128x32xf32, #tpu.memory_space<vmem>>
    tpu.enqueue_dma source(%dma_start3A_181 : memref<128x32xf32, #tpu.memory_space<vmem>>) target(%dma_start3A_177 : memref<128x32xf32, #tpu.memory_space<hbm>>) target_semaphore(%dma_start3A_173 : memref<!tpu.dma_semaphore, #tpu.memory_space<semaphore_mem>>)
    %dma_wait3A_182 = arith.constant 3 : i32
    %dma_wait3A_183 = arith.constant 3 : i32
    %dma_wait3A_184 = arith.constant 0 : i32
    %dma_wait3A_185 = arith.constant 0 : i32
    %dma_wait3A_186 = tpu.memref_slice %arg7[%dma_wait3A_182, %dma_wait3A_184, %dma_wait3A_185] : memref<4x128x32xf32, #tpu.memory_space<vmem>> -> memref<1x128x32xf32, #tpu.memory_space<vmem>>
    %dma_wait3A_187 = tpu.memref_squeeze %dma_wait3A_186 : memref<1x128x32xf32, #tpu.memory_space<vmem>> -> memref<128x32xf32, #tpu.memory_space<vmem>>
    %dma_wait3A_188 = arith.constant 0 : i32
    %dma_wait3A_189 = arith.constant 0 : i32
    %dma_wait3A_190 = tpu.memref_slice %arg3[%dma_wait3A_188, %dma_wait3A_189] : memref<4000000x32xf32, #tpu.memory_space<hbm>> -> memref<128x32xf32, #tpu.memory_space<hbm>>
    %dma_wait3A_191 = tpu.memref_slice %arg8[%dma_wait3A_183] : memref<4x!tpu.dma_semaphore, #tpu.memory_space<semaphore_mem>> -> memref<1x!tpu.dma_semaphore, #tpu.memory_space<semaphore_mem>>
    %dma_wait3A_192 = tpu.memref_squeeze %dma_wait3A_191 : memref<1x!tpu.dma_semaphore, #tpu.memory_space<semaphore_mem>> -> memref<!tpu.dma_semaphore, #tpu.memory_space<semaphore_mem>>
    %dma_wait3A_193 = arith.constant 0 : i32
    %dma_wait3A_194 = arith.constant 0 : i32
    %dma_wait3A_195 = tpu.memref_slice %arg7[%dma_wait3A_182, %dma_wait3A_193, %dma_wait3A_194] : memref<4x128x32xf32, #tpu.memory_space<vmem>> -> memref<1x128x32xf32, #tpu.memory_space<vmem>>
    %dma_wait3A_196 = tpu.memref_squeeze %dma_wait3A_195 : memref<1x128x32xf32, #tpu.memory_space<vmem>> -> memref<128x32xf32, #tpu.memory_space<vmem>>
    %dma_wait3A_197 = arith.constant 0 : i32
    %dma_wait3A_198 = arith.constant 0 : i32
    %dma_wait3A_199 = tpu.memref_slice %arg3[%dma_wait3A_197, %dma_wait3A_198] : memref<4000000x32xf32, #tpu.memory_space<hbm>> -> memref<128x32xf32, #tpu.memory_space<hbm>>
    tpu.wait_dma2 semaphore(%dma_wait3A_192 : memref<!tpu.dma_semaphore, #tpu.memory_space<semaphore_mem>>) src(%dma_wait3A_199 : memref<128x32xf32, #tpu.memory_space<hbm>>) dst(%dma_wait3A_196 : memref<128x32xf32, #tpu.memory_space<vmem>>)
    %dma_start3A_200 = arith.constant 3 : i32
    %dma_start3A_201 = arith.constant 3 : i32
    %dma_start3A_202 = arith.constant 3 : i32
    %dma_start3A_203 = arith.constant 0 : i32
    %dma_start3A_204 = arith.constant 0 : i32
    %dma_start3A_205 = tpu.memref_slice %arg7[%dma_start3A_200, %dma_start3A_203, %dma_start3A_204] : memref<4x128x32xf32, #tpu.memory_space<vmem>> -> memref<1x128x32xf32, #tpu.memory_space<vmem>>
    %dma_start3A_206 = tpu.memref_squeeze %dma_start3A_205 : memref<1x128x32xf32, #tpu.memory_space<vmem>> -> memref<128x32xf32, #tpu.memory_space<vmem>>
    %dma_start3A_207 = arith.constant 0 : i32
    %dma_start3A_208 = arith.constant 0 : i32
    %dma_start3A_209 = tpu.memref_slice %arg4[%dma_start3A_201, %add3A, %dma_start3A_207, %dma_start3A_208] : memref<200x32x128x128xf32, #tpu.memory_space<hbm>> -> memref<1x1x128x32xf32, #tpu.memory_space<hbm>>
    %dma_start3A_210 = tpu.memref_squeeze %dma_start3A_209 : memref<1x1x128x32xf32, #tpu.memory_space<hbm>> -> memref<128x32xf32, #tpu.memory_space<hbm>>
    %dma_start3A_211 = tpu.memref_slice %arg9[%dma_start3A_202] : memref<4x!tpu.dma_semaphore, #tpu.memory_space<semaphore_mem>> -> memref<1x!tpu.dma_semaphore, #tpu.memory_space<semaphore_mem>>
    %dma_start3A_212 = tpu.memref_squeeze %dma_start3A_211 : memref<1x!tpu.dma_semaphore, #tpu.memory_space<semaphore_mem>> -> memref<!tpu.dma_semaphore, #tpu.memory_space<semaphore_mem>>
    %dma_start3A_213 = arith.constant 0 : i32
    %dma_start3A_214 = arith.constant 0 : i32
    %dma_start3A_215 = tpu.memref_slice %arg4[%dma_start3A_201, %add3A, %dma_start3A_213, %dma_start3A_214] : memref<200x32x128x128xf32, #tpu.memory_space<hbm>> -> memref<1x1x128x32xf32, #tpu.memory_space<hbm>>
    %dma_start3A_216 = tpu.memref_squeeze %dma_start3A_215 : memref<1x1x128x32xf32, #tpu.memory_space<hbm>> -> memref<128x32xf32, #tpu.memory_space<hbm>>
    %dma_start3A_217 = arith.constant 0 : i32
    %dma_start3A_218 = arith.constant 0 : i32
    %dma_start3A_219 = tpu.memref_slice %arg7[%dma_start3A_200, %dma_start3A_217, %dma_start3A_218] : memref<4x128x32xf32, #tpu.memory_space<vmem>> -> memref<1x128x32xf32, #tpu.memory_space<vmem>>
    %dma_start3A_220 = tpu.memref_squeeze %dma_start3A_219 : memref<1x128x32xf32, #tpu.memory_space<vmem>> -> memref<128x32xf32, #tpu.memory_space<vmem>>
    tpu.enqueue_dma source(%dma_start3A_220 : memref<128x32xf32, #tpu.memory_space<vmem>>) target(%dma_start3A_216 : memref<128x32xf32, #tpu.memory_space<hbm>>) target_semaphore(%dma_start3A_212 : memref<!tpu.dma_semaphore, #tpu.memory_space<semaphore_mem>>)
    %scan3A_221 = arith.constant 0 : i32
    %scan3A_222 = arith.constant 49 : i32
    %scan3A_223 = arith.addi %scan3A_221, %scan3A_222 : i32
    %scan3A_224 = arith.constant 1 : i32
    scf.for %scan3A_314 = %scan3A_221 to %scan3A_223 step %scan3A_224  : i32 {
      %mul3A_315 = arith.constant 4 : i32
      %mul3A_316 = arith.muli %scan3A_314, %mul3A_315 : i32
      %add3A_317 = arith.constant 4 : i32
      %add3A_318 = arith.addi %add3A_317, %mul3A_316 : i32
      %dma_wait3A_319 = arith.constant 0 : i32
      %dma_wait3A_320 = arith.constant 0 : i32
      %dma_wait3A_321 = arith.constant 0 : i32
      %dma_wait3A_322 = arith.constant 0 : i32
      %dma_wait3A_323 = arith.constant 0 : i32
      %dma_wait3A_324 = arith.constant 0 : i32
      %dma_wait3A_325 = tpu.memref_slice %arg7[%dma_wait3A_319, %dma_wait3A_323, %dma_wait3A_324] : memref<4x128x32xf32, #tpu.memory_space<vmem>> -> memref<1x128x32xf32, #tpu.memory_space<vmem>>
      %dma_wait3A_326 = tpu.memref_squeeze %dma_wait3A_325 : memref<1x128x32xf32, #tpu.memory_space<vmem>> -> memref<128x32xf32, #tpu.memory_space<vmem>>
      %dma_wait3A_327 = arith.constant 0 : i32
      %dma_wait3A_328 = arith.constant 0 : i32
      %dma_wait3A_329 = tpu.memref_slice %arg4[%dma_wait3A_320, %dma_wait3A_321, %dma_wait3A_327, %dma_wait3A_328] : memref<200x32x128x128xf32, #tpu.memory_space<hbm>> -> memref<1x1x128x32xf32, #tpu.memory_space<hbm>>
      %dma_wait3A_330 = tpu.memref_squeeze %dma_wait3A_329 : memref<1x1x128x32xf32, #tpu.memory_space<hbm>> -> memref<128x32xf32, #tpu.memory_space<hbm>>
      %dma_wait3A_331 = tpu.memref_slice %arg9[%dma_wait3A_322] : memref<4x!tpu.dma_semaphore, #tpu.memory_space<semaphore_mem>> -> memref<1x!tpu.dma_semaphore, #tpu.memory_space<semaphore_mem>>
      %dma_wait3A_332 = tpu.memref_squeeze %dma_wait3A_331 : memref<1x!tpu.dma_semaphore, #tpu.memory_space<semaphore_mem>> -> memref<!tpu.dma_semaphore, #tpu.memory_space<semaphore_mem>>
      %dma_wait3A_333 = arith.constant 0 : i32
      %dma_wait3A_334 = arith.constant 0 : i32
      %dma_wait3A_335 = tpu.memref_slice %arg4[%dma_wait3A_320, %dma_wait3A_321, %dma_wait3A_333, %dma_wait3A_334] : memref<200x32x128x128xf32, #tpu.memory_space<hbm>> -> memref<1x1x128x32xf32, #tpu.memory_space<hbm>>
      %dma_wait3A_336 = tpu.memref_squeeze %dma_wait3A_335 : memref<1x1x128x32xf32, #tpu.memory_space<hbm>> -> memref<128x32xf32, #tpu.memory_space<hbm>>
      %dma_wait3A_337 = arith.constant 0 : i32
      %dma_wait3A_338 = arith.constant 0 : i32
      %dma_wait3A_339 = tpu.memref_slice %arg7[%dma_wait3A_319, %dma_wait3A_337, %dma_wait3A_338] : memref<4x128x32xf32, #tpu.memory_space<vmem>> -> memref<1x128x32xf32, #tpu.memory_space<vmem>>
      %dma_wait3A_340 = tpu.memref_squeeze %dma_wait3A_339 : memref<1x128x32xf32, #tpu.memory_space<vmem>> -> memref<128x32xf32, #tpu.memory_space<vmem>>
      tpu.wait_dma2 semaphore(%dma_wait3A_332 : memref<!tpu.dma_semaphore, #tpu.memory_space<semaphore_mem>>) src(%dma_wait3A_340 : memref<128x32xf32, #tpu.memory_space<vmem>>) dst(%dma_wait3A_336 : memref<128x32xf32, #tpu.memory_space<hbm>>)
      %add3A_341 = arith.constant 0 : i32
      %add3A_342 = arith.addi %add3A_318, %add3A_341 : i32
      %dma_start3A_343 = arith.constant 0 : i32
      %dma_start3A_344 = arith.constant 0 : i32
      %dma_start3A_345 = arith.constant 0 : i32
      %dma_start3A_346 = arith.constant 0 : i32
      %dma_start3A_347 = tpu.memref_slice %arg7[%dma_start3A_343, %dma_start3A_345, %dma_start3A_346] : memref<4x128x32xf32, #tpu.memory_space<vmem>> -> memref<1x128x32xf32, #tpu.memory_space<vmem>>
      %dma_start3A_348 = tpu.memref_squeeze %dma_start3A_347 : memref<1x128x32xf32, #tpu.memory_space<vmem>> -> memref<128x32xf32, #tpu.memory_space<vmem>>
      %dma_start3A_349 = arith.constant 0 : i32
      %dma_start3A_350 = tpu.memref_slice %arg6[%add3A_342, %dma_start3A_349] : memref<200x128xi32, #tpu.memory_space<vmem>> -> memref<1x128xi32, #tpu.memory_space<vmem>>
      %dma_start3A_351 = tpu.memref_squeeze %dma_start3A_350 : memref<1x128xi32, #tpu.memory_space<vmem>> -> memref<128xi32, #tpu.memory_space<vmem>>
      %dma_start3A_352 = arith.constant 0 : i32
      %dma_start3A_353 = arith.constant 0 : i32
      %dma_start3A_354 = tpu.memref_slice %arg3[%dma_start3A_352, %dma_start3A_353] : memref<4000000x32xf32, #tpu.memory_space<hbm>> -> memref<4000000x32xf32, #tpu.memory_space<hbm>>
      %dma_start3A_355 = tpu.memref_slice %arg8[%dma_start3A_344] : memref<4x!tpu.dma_semaphore, #tpu.memory_space<semaphore_mem>> -> memref<1x!tpu.dma_semaphore, #tpu.memory_space<semaphore_mem>>
      %dma_start3A_356 = tpu.memref_squeeze %dma_start3A_355 : memref<1x!tpu.dma_semaphore, #tpu.memory_space<semaphore_mem>> -> memref<!tpu.dma_semaphore, #tpu.memory_space<semaphore_mem>>
      tpu.enqueue_indirect_dma source(%dma_start3A_354 : memref<4000000x32xf32, #tpu.memory_space<hbm>>) target(%dma_start3A_348 : memref<128x32xf32, #tpu.memory_space<vmem>>) offsets(%dma_start3A_351 : memref<128xi32, #tpu.memory_space<vmem>>) semaphore(%dma_start3A_356 : memref<!tpu.dma_semaphore, #tpu.memory_space<semaphore_mem>>)
      %dma_wait3A_357 = arith.constant 1 : i32
      %dma_wait3A_358 = arith.constant 0 : i32
      %dma_wait3A_359 = arith.constant 0 : i32
      %dma_wait3A_360 = arith.constant 1 : i32
      %dma_wait3A_361 = arith.constant 0 : i32
      %dma_wait3A_362 = arith.constant 0 : i32
      %dma_wait3A_363 = tpu.memref_slice %arg7[%dma_wait3A_357, %dma_wait3A_361, %dma_wait3A_362] : memref<4x128x32xf32, #tpu.memory_space<vmem>> -> memref<1x128x32xf32, #tpu.memory_space<vmem>>
      %dma_wait3A_364 = tpu.memref_squeeze %dma_wait3A_363 : memref<1x128x32xf32, #tpu.memory_space<vmem>> -> memref<128x32xf32, #tpu.memory_space<vmem>>
      %dma_wait3A_365 = arith.constant 0 : i32
      %dma_wait3A_366 = arith.constant 0 : i32
      %dma_wait3A_367 = tpu.memref_slice %arg4[%dma_wait3A_358, %dma_wait3A_359, %dma_wait3A_365, %dma_wait3A_366] : memref<200x32x128x128xf32, #tpu.memory_space<hbm>> -> memref<1x1x128x32xf32, #tpu.memory_space<hbm>>
      %dma_wait3A_368 = tpu.memref_squeeze %dma_wait3A_367 : memref<1x1x128x32xf32, #tpu.memory_space<hbm>> -> memref<128x32xf32, #tpu.memory_space<hbm>>
      %dma_wait3A_369 = tpu.memref_slice %arg9[%dma_wait3A_360] : memref<4x!tpu.dma_semaphore, #tpu.memory_space<semaphore_mem>> -> memref<1x!tpu.dma_semaphore, #tpu.memory_space<semaphore_mem>>
      %dma_wait3A_370 = tpu.memref_squeeze %dma_wait3A_369 : memref<1x!tpu.dma_semaphore, #tpu.memory_space<semaphore_mem>> -> memref<!tpu.dma_semaphore, #tpu.memory_space<semaphore_mem>>
      %dma_wait3A_371 = arith.constant 0 : i32
      %dma_wait3A_372 = arith.constant 0 : i32
      %dma_wait3A_373 = tpu.memref_slice %arg4[%dma_wait3A_358, %dma_wait3A_359, %dma_wait3A_371, %dma_wait3A_372] : memref<200x32x128x128xf32, #tpu.memory_space<hbm>> -> memref<1x1x128x32xf32, #tpu.memory_space<hbm>>
      %dma_wait3A_374 = tpu.memref_squeeze %dma_wait3A_373 : memref<1x1x128x32xf32, #tpu.memory_space<hbm>> -> memref<128x32xf32, #tpu.memory_space<hbm>>
      %dma_wait3A_375 = arith.constant 0 : i32
      %dma_wait3A_376 = arith.constant 0 : i32
      %dma_wait3A_377 = tpu.memref_slice %arg7[%dma_wait3A_357, %dma_wait3A_375, %dma_wait3A_376] : memref<4x128x32xf32, #tpu.memory_space<vmem>> -> memref<1x128x32xf32, #tpu.memory_space<vmem>>
      %dma_wait3A_378 = tpu.memref_squeeze %dma_wait3A_377 : memref<1x128x32xf32, #tpu.memory_space<vmem>> -> memref<128x32xf32, #tpu.memory_space<vmem>>
      tpu.wait_dma2 semaphore(%dma_wait3A_370 : memref<!tpu.dma_semaphore, #tpu.memory_space<semaphore_mem>>) src(%dma_wait3A_378 : memref<128x32xf32, #tpu.memory_space<vmem>>) dst(%dma_wait3A_374 : memref<128x32xf32, #tpu.memory_space<hbm>>)
      %add3A_379 = arith.constant 1 : i32
      %add3A_380 = arith.addi %add3A_318, %add3A_379 : i32
      %dma_start3A_381 = arith.constant 1 : i32
      %dma_start3A_382 = arith.constant 1 : i32
      %dma_start3A_383 = arith.constant 0 : i32
      %dma_start3A_384 = arith.constant 0 : i32
      %dma_start3A_385 = tpu.memref_slice %arg7[%dma_start3A_381, %dma_start3A_383, %dma_start3A_384] : memref<4x128x32xf32, #tpu.memory_space<vmem>> -> memref<1x128x32xf32, #tpu.memory_space<vmem>>
      %dma_start3A_386 = tpu.memref_squeeze %dma_start3A_385 : memref<1x128x32xf32, #tpu.memory_space<vmem>> -> memref<128x32xf32, #tpu.memory_space<vmem>>
      %dma_start3A_387 = arith.constant 0 : i32
      %dma_start3A_388 = tpu.memref_slice %arg6[%add3A_380, %dma_start3A_387] : memref<200x128xi32, #tpu.memory_space<vmem>> -> memref<1x128xi32, #tpu.memory_space<vmem>>
      %dma_start3A_389 = tpu.memref_squeeze %dma_start3A_388 : memref<1x128xi32, #tpu.memory_space<vmem>> -> memref<128xi32, #tpu.memory_space<vmem>>
      %dma_start3A_390 = arith.constant 0 : i32
      %dma_start3A_391 = arith.constant 0 : i32
      %dma_start3A_392 = tpu.memref_slice %arg3[%dma_start3A_390, %dma_start3A_391] : memref<4000000x32xf32, #tpu.memory_space<hbm>> -> memref<4000000x32xf32, #tpu.memory_space<hbm>>
      %dma_start3A_393 = tpu.memref_slice %arg8[%dma_start3A_382] : memref<4x!tpu.dma_semaphore, #tpu.memory_space<semaphore_mem>> -> memref<1x!tpu.dma_semaphore, #tpu.memory_space<semaphore_mem>>
      %dma_start3A_394 = tpu.memref_squeeze %dma_start3A_393 : memref<1x!tpu.dma_semaphore, #tpu.memory_space<semaphore_mem>> -> memref<!tpu.dma_semaphore, #tpu.memory_space<semaphore_mem>>
      tpu.enqueue_indirect_dma source(%dma_start3A_392 : memref<4000000x32xf32, #tpu.memory_space<hbm>>) target(%dma_start3A_386 : memref<128x32xf32, #tpu.memory_space<vmem>>) offsets(%dma_start3A_389 : memref<128xi32, #tpu.memory_space<vmem>>) semaphore(%dma_start3A_394 : memref<!tpu.dma_semaphore, #tpu.memory_space<semaphore_mem>>)
      %dma_wait3A_395 = arith.constant 2 : i32
      %dma_wait3A_396 = arith.constant 0 : i32
      %dma_wait3A_397 = arith.constant 0 : i32
      %dma_wait3A_398 = arith.constant 2 : i32
      %dma_wait3A_399 = arith.constant 0 : i32
      %dma_wait3A_400 = arith.constant 0 : i32
      %dma_wait3A_401 = tpu.memref_slice %arg7[%dma_wait3A_395, %dma_wait3A_399, %dma_wait3A_400] : memref<4x128x32xf32, #tpu.memory_space<vmem>> -> memref<1x128x32xf32, #tpu.memory_space<vmem>>
      %dma_wait3A_402 = tpu.memref_squeeze %dma_wait3A_401 : memref<1x128x32xf32, #tpu.memory_space<vmem>> -> memref<128x32xf32, #tpu.memory_space<vmem>>
      %dma_wait3A_403 = arith.constant 0 : i32
      %dma_wait3A_404 = arith.constant 0 : i32
      %dma_wait3A_405 = tpu.memref_slice %arg4[%dma_wait3A_396, %dma_wait3A_397, %dma_wait3A_403, %dma_wait3A_404] : memref<200x32x128x128xf32, #tpu.memory_space<hbm>> -> memref<1x1x128x32xf32, #tpu.memory_space<hbm>>
      %dma_wait3A_406 = tpu.memref_squeeze %dma_wait3A_405 : memref<1x1x128x32xf32, #tpu.memory_space<hbm>> -> memref<128x32xf32, #tpu.memory_space<hbm>>
      %dma_wait3A_407 = tpu.memref_slice %arg9[%dma_wait3A_398] : memref<4x!tpu.dma_semaphore, #tpu.memory_space<semaphore_mem>> -> memref<1x!tpu.dma_semaphore, #tpu.memory_space<semaphore_mem>>
      %dma_wait3A_408 = tpu.memref_squeeze %dma_wait3A_407 : memref<1x!tpu.dma_semaphore, #tpu.memory_space<semaphore_mem>> -> memref<!tpu.dma_semaphore, #tpu.memory_space<semaphore_mem>>
      %dma_wait3A_409 = arith.constant 0 : i32
      %dma_wait3A_410 = arith.constant 0 : i32
      %dma_wait3A_411 = tpu.memref_slice %arg4[%dma_wait3A_396, %dma_wait3A_397, %dma_wait3A_409, %dma_wait3A_410] : memref<200x32x128x128xf32, #tpu.memory_space<hbm>> -> memref<1x1x128x32xf32, #tpu.memory_space<hbm>>
      %dma_wait3A_412 = tpu.memref_squeeze %dma_wait3A_411 : memref<1x1x128x32xf32, #tpu.memory_space<hbm>> -> memref<128x32xf32, #tpu.memory_space<hbm>>
      %dma_wait3A_413 = arith.constant 0 : i32
      %dma_wait3A_414 = arith.constant 0 : i32
      %dma_wait3A_415 = tpu.memref_slice %arg7[%dma_wait3A_395, %dma_wait3A_413, %dma_wait3A_414] : memref<4x128x32xf32, #tpu.memory_space<vmem>> -> memref<1x128x32xf32, #tpu.memory_space<vmem>>
      %dma_wait3A_416 = tpu.memref_squeeze %dma_wait3A_415 : memref<1x128x32xf32, #tpu.memory_space<vmem>> -> memref<128x32xf32, #tpu.memory_space<vmem>>
      tpu.wait_dma2 semaphore(%dma_wait3A_408 : memref<!tpu.dma_semaphore, #tpu.memory_space<semaphore_mem>>) src(%dma_wait3A_416 : memref<128x32xf32, #tpu.memory_space<vmem>>) dst(%dma_wait3A_412 : memref<128x32xf32, #tpu.memory_space<hbm>>)
      %add3A_417 = arith.constant 2 : i32
      %add3A_418 = arith.addi %add3A_318, %add3A_417 : i32
      %dma_start3A_419 = arith.constant 2 : i32
      %dma_start3A_420 = arith.constant 2 : i32
      %dma_start3A_421 = arith.constant 0 : i32
      %dma_start3A_422 = arith.constant 0 : i32
      %dma_start3A_423 = tpu.memref_slice %arg7[%dma_start3A_419, %dma_start3A_421, %dma_start3A_422] : memref<4x128x32xf32, #tpu.memory_space<vmem>> -> memref<1x128x32xf32, #tpu.memory_space<vmem>>
      %dma_start3A_424 = tpu.memref_squeeze %dma_start3A_423 : memref<1x128x32xf32, #tpu.memory_space<vmem>> -> memref<128x32xf32, #tpu.memory_space<vmem>>
      %dma_start3A_425 = arith.constant 0 : i32
      %dma_start3A_426 = tpu.memref_slice %arg6[%add3A_418, %dma_start3A_425] : memref<200x128xi32, #tpu.memory_space<vmem>> -> memref<1x128xi32, #tpu.memory_space<vmem>>
      %dma_start3A_427 = tpu.memref_squeeze %dma_start3A_426 : memref<1x128xi32, #tpu.memory_space<vmem>> -> memref<128xi32, #tpu.memory_space<vmem>>
      %dma_start3A_428 = arith.constant 0 : i32
      %dma_start3A_429 = arith.constant 0 : i32
      %dma_start3A_430 = tpu.memref_slice %arg3[%dma_start3A_428, %dma_start3A_429] : memref<4000000x32xf32, #tpu.memory_space<hbm>> -> memref<4000000x32xf32, #tpu.memory_space<hbm>>
      %dma_start3A_431 = tpu.memref_slice %arg8[%dma_start3A_420] : memref<4x!tpu.dma_semaphore, #tpu.memory_space<semaphore_mem>> -> memref<1x!tpu.dma_semaphore, #tpu.memory_space<semaphore_mem>>
      %dma_start3A_432 = tpu.memref_squeeze %dma_start3A_431 : memref<1x!tpu.dma_semaphore, #tpu.memory_space<semaphore_mem>> -> memref<!tpu.dma_semaphore, #tpu.memory_space<semaphore_mem>>
      tpu.enqueue_indirect_dma source(%dma_start3A_430 : memref<4000000x32xf32, #tpu.memory_space<hbm>>) target(%dma_start3A_424 : memref<128x32xf32, #tpu.memory_space<vmem>>) offsets(%dma_start3A_427 : memref<128xi32, #tpu.memory_space<vmem>>) semaphore(%dma_start3A_432 : memref<!tpu.dma_semaphore, #tpu.memory_space<semaphore_mem>>)
      %dma_wait3A_433 = arith.constant 3 : i32
      %dma_wait3A_434 = arith.constant 0 : i32
      %dma_wait3A_435 = arith.constant 0 : i32
      %dma_wait3A_436 = arith.constant 3 : i32
      %dma_wait3A_437 = arith.constant 0 : i32
      %dma_wait3A_438 = arith.constant 0 : i32
      %dma_wait3A_439 = tpu.memref_slice %arg7[%dma_wait3A_433, %dma_wait3A_437, %dma_wait3A_438] : memref<4x128x32xf32, #tpu.memory_space<vmem>> -> memref<1x128x32xf32, #tpu.memory_space<vmem>>
      %dma_wait3A_440 = tpu.memref_squeeze %dma_wait3A_439 : memref<1x128x32xf32, #tpu.memory_space<vmem>> -> memref<128x32xf32, #tpu.memory_space<vmem>>
      %dma_wait3A_441 = arith.constant 0 : i32
      %dma_wait3A_442 = arith.constant 0 : i32
      %dma_wait3A_443 = tpu.memref_slice %arg4[%dma_wait3A_434, %dma_wait3A_435, %dma_wait3A_441, %dma_wait3A_442] : memref<200x32x128x128xf32, #tpu.memory_space<hbm>> -> memref<1x1x128x32xf32, #tpu.memory_space<hbm>>
      %dma_wait3A_444 = tpu.memref_squeeze %dma_wait3A_443 : memref<1x1x128x32xf32, #tpu.memory_space<hbm>> -> memref<128x32xf32, #tpu.memory_space<hbm>>
      %dma_wait3A_445 = tpu.memref_slice %arg9[%dma_wait3A_436] : memref<4x!tpu.dma_semaphore, #tpu.memory_space<semaphore_mem>> -> memref<1x!tpu.dma_semaphore, #tpu.memory_space<semaphore_mem>>
      %dma_wait3A_446 = tpu.memref_squeeze %dma_wait3A_445 : memref<1x!tpu.dma_semaphore, #tpu.memory_space<semaphore_mem>> -> memref<!tpu.dma_semaphore, #tpu.memory_space<semaphore_mem>>
      %dma_wait3A_447 = arith.constant 0 : i32
      %dma_wait3A_448 = arith.constant 0 : i32
      %dma_wait3A_449 = tpu.memref_slice %arg4[%dma_wait3A_434, %dma_wait3A_435, %dma_wait3A_447, %dma_wait3A_448] : memref<200x32x128x128xf32, #tpu.memory_space<hbm>> -> memref<1x1x128x32xf32, #tpu.memory_space<hbm>>
      %dma_wait3A_450 = tpu.memref_squeeze %dma_wait3A_449 : memref<1x1x128x32xf32, #tpu.memory_space<hbm>> -> memref<128x32xf32, #tpu.memory_space<hbm>>
      %dma_wait3A_451 = arith.constant 0 : i32
      %dma_wait3A_452 = arith.constant 0 : i32
      %dma_wait3A_453 = tpu.memref_slice %arg7[%dma_wait3A_433, %dma_wait3A_451, %dma_wait3A_452] : memref<4x128x32xf32, #tpu.memory_space<vmem>> -> memref<1x128x32xf32, #tpu.memory_space<vmem>>
      %dma_wait3A_454 = tpu.memref_squeeze %dma_wait3A_453 : memref<1x128x32xf32, #tpu.memory_space<vmem>> -> memref<128x32xf32, #tpu.memory_space<vmem>>
      tpu.wait_dma2 semaphore(%dma_wait3A_446 : memref<!tpu.dma_semaphore, #tpu.memory_space<semaphore_mem>>) src(%dma_wait3A_454 : memref<128x32xf32, #tpu.memory_space<vmem>>) dst(%dma_wait3A_450 : memref<128x32xf32, #tpu.memory_space<hbm>>)
      %add3A_455 = arith.constant 3 : i32
      %add3A_456 = arith.addi %add3A_318, %add3A_455 : i32
      %dma_start3A_457 = arith.constant 3 : i32
      %dma_start3A_458 = arith.constant 3 : i32
      %dma_start3A_459 = arith.constant 0 : i32
      %dma_start3A_460 = arith.constant 0 : i32
      %dma_start3A_461 = tpu.memref_slice %arg7[%dma_start3A_457, %dma_start3A_459, %dma_start3A_460] : memref<4x128x32xf32, #tpu.memory_space<vmem>> -> memref<1x128x32xf32, #tpu.memory_space<vmem>>
      %dma_start3A_462 = tpu.memref_squeeze %dma_start3A_461 : memref<1x128x32xf32, #tpu.memory_space<vmem>> -> memref<128x32xf32, #tpu.memory_space<vmem>>
      %dma_start3A_463 = arith.constant 0 : i32
      %dma_start3A_464 = tpu.memref_slice %arg6[%add3A_456, %dma_start3A_463] : memref<200x128xi32, #tpu.memory_space<vmem>> -> memref<1x128xi32, #tpu.memory_space<vmem>>
      %dma_start3A_465 = tpu.memref_squeeze %dma_start3A_464 : memref<1x128xi32, #tpu.memory_space<vmem>> -> memref<128xi32, #tpu.memory_space<vmem>>
      %dma_start3A_466 = arith.constant 0 : i32
      %dma_start3A_467 = arith.constant 0 : i32
      %dma_start3A_468 = tpu.memref_slice %arg3[%dma_start3A_466, %dma_start3A_467] : memref<4000000x32xf32, #tpu.memory_space<hbm>> -> memref<4000000x32xf32, #tpu.memory_space<hbm>>
      %dma_start3A_469 = tpu.memref_slice %arg8[%dma_start3A_458] : memref<4x!tpu.dma_semaphore, #tpu.memory_space<semaphore_mem>> -> memref<1x!tpu.dma_semaphore, #tpu.memory_space<semaphore_mem>>
      %dma_start3A_470 = tpu.memref_squeeze %dma_start3A_469 : memref<1x!tpu.dma_semaphore, #tpu.memory_space<semaphore_mem>> -> memref<!tpu.dma_semaphore, #tpu.memory_space<semaphore_mem>>
      tpu.enqueue_indirect_dma source(%dma_start3A_468 : memref<4000000x32xf32, #tpu.memory_space<hbm>>) target(%dma_start3A_462 : memref<128x32xf32, #tpu.memory_space<vmem>>) offsets(%dma_start3A_465 : memref<128xi32, #tpu.memory_space<vmem>>) semaphore(%dma_start3A_470 : memref<!tpu.dma_semaphore, #tpu.memory_space<semaphore_mem>>)
      %dma_wait3A_471 = arith.constant 0 : i32
      %dma_wait3A_472 = arith.constant 0 : i32
      %dma_wait3A_473 = arith.constant 0 : i32
      %dma_wait3A_474 = arith.constant 0 : i32
      %dma_wait3A_475 = tpu.memref_slice %arg7[%dma_wait3A_471, %dma_wait3A_473, %dma_wait3A_474] : memref<4x128x32xf32, #tpu.memory_space<vmem>> -> memref<1x128x32xf32, #tpu.memory_space<vmem>>
      %dma_wait3A_476 = tpu.memref_squeeze %dma_wait3A_475 : memref<1x128x32xf32, #tpu.memory_space<vmem>> -> memref<128x32xf32, #tpu.memory_space<vmem>>
      %dma_wait3A_477 = arith.constant 0 : i32
      %dma_wait3A_478 = arith.constant 0 : i32
      %dma_wait3A_479 = tpu.memref_slice %arg3[%dma_wait3A_477, %dma_wait3A_478] : memref<4000000x32xf32, #tpu.memory_space<hbm>> -> memref<128x32xf32, #tpu.memory_space<hbm>>
      %dma_wait3A_480 = tpu.memref_slice %arg8[%dma_wait3A_472] : memref<4x!tpu.dma_semaphore, #tpu.memory_space<semaphore_mem>> -> memref<1x!tpu.dma_semaphore, #tpu.memory_space<semaphore_mem>>
      %dma_wait3A_481 = tpu.memref_squeeze %dma_wait3A_480 : memref<1x!tpu.dma_semaphore, #tpu.memory_space<semaphore_mem>> -> memref<!tpu.dma_semaphore, #tpu.memory_space<semaphore_mem>>
      %dma_wait3A_482 = arith.constant 0 : i32
      %dma_wait3A_483 = arith.constant 0 : i32
      %dma_wait3A_484 = tpu.memref_slice %arg7[%dma_wait3A_471, %dma_wait3A_482, %dma_wait3A_483] : memref<4x128x32xf32, #tpu.memory_space<vmem>> -> memref<1x128x32xf32, #tpu.memory_space<vmem>>
      %dma_wait3A_485 = tpu.memref_squeeze %dma_wait3A_484 : memref<1x128x32xf32, #tpu.memory_space<vmem>> -> memref<128x32xf32, #tpu.memory_space<vmem>>
      %dma_wait3A_486 = arith.constant 0 : i32
      %dma_wait3A_487 = arith.constant 0 : i32
      %dma_wait3A_488 = tpu.memref_slice %arg3[%dma_wait3A_486, %dma_wait3A_487] : memref<4000000x32xf32, #tpu.memory_space<hbm>> -> memref<128x32xf32, #tpu.memory_space<hbm>>
      tpu.wait_dma2 semaphore(%dma_wait3A_481 : memref<!tpu.dma_semaphore, #tpu.memory_space<semaphore_mem>>) src(%dma_wait3A_488 : memref<128x32xf32, #tpu.memory_space<hbm>>) dst(%dma_wait3A_485 : memref<128x32xf32, #tpu.memory_space<vmem>>)
      %add3A_489 = arith.constant 0 : i32
      %add3A_490 = arith.addi %add3A_318, %add3A_489 : i32
      %dma_start3A_491 = arith.constant 0 : i32
      %dma_start3A_492 = arith.constant 0 : i32
      %dma_start3A_493 = arith.constant 0 : i32
      %dma_start3A_494 = arith.constant 0 : i32
      %dma_start3A_495 = tpu.memref_slice %arg7[%dma_start3A_491, %dma_start3A_493, %dma_start3A_494] : memref<4x128x32xf32, #tpu.memory_space<vmem>> -> memref<1x128x32xf32, #tpu.memory_space<vmem>>
      %dma_start3A_496 = tpu.memref_squeeze %dma_start3A_495 : memref<1x128x32xf32, #tpu.memory_space<vmem>> -> memref<128x32xf32, #tpu.memory_space<vmem>>
      %dma_start3A_497 = arith.constant 0 : i32
      %dma_start3A_498 = arith.constant 0 : i32
      %dma_start3A_499 = tpu.memref_slice %arg4[%add3A_490, %add3A, %dma_start3A_497, %dma_start3A_498] : memref<200x32x128x128xf32, #tpu.memory_space<hbm>> -> memref<1x1x128x32xf32, #tpu.memory_space<hbm>>
      %dma_start3A_500 = tpu.memref_squeeze %dma_start3A_499 : memref<1x1x128x32xf32, #tpu.memory_space<hbm>> -> memref<128x32xf32, #tpu.memory_space<hbm>>
      %dma_start3A_501 = tpu.memref_slice %arg9[%dma_start3A_492] : memref<4x!tpu.dma_semaphore, #tpu.memory_space<semaphore_mem>> -> memref<1x!tpu.dma_semaphore, #tpu.memory_space<semaphore_mem>>
      %dma_start3A_502 = tpu.memref_squeeze %dma_start3A_501 : memref<1x!tpu.dma_semaphore, #tpu.memory_space<semaphore_mem>> -> memref<!tpu.dma_semaphore, #tpu.memory_space<semaphore_mem>>
      %dma_start3A_503 = arith.constant 0 : i32
      %dma_start3A_504 = arith.constant 0 : i32
      %dma_start3A_505 = tpu.memref_slice %arg4[%add3A_490, %add3A, %dma_start3A_503, %dma_start3A_504] : memref<200x32x128x128xf32, #tpu.memory_space<hbm>> -> memref<1x1x128x32xf32, #tpu.memory_space<hbm>>
      %dma_start3A_506 = tpu.memref_squeeze %dma_start3A_505 : memref<1x1x128x32xf32, #tpu.memory_space<hbm>> -> memref<128x32xf32, #tpu.memory_space<hbm>>
      %dma_start3A_507 = arith.constant 0 : i32
      %dma_start3A_508 = arith.constant 0 : i32
      %dma_start3A_509 = tpu.memref_slice %arg7[%dma_start3A_491, %dma_start3A_507, %dma_start3A_508] : memref<4x128x32xf32, #tpu.memory_space<vmem>> -> memref<1x128x32xf32, #tpu.memory_space<vmem>>
      %dma_start3A_510 = tpu.memref_squeeze %dma_start3A_509 : memref<1x128x32xf32, #tpu.memory_space<vmem>> -> memref<128x32xf32, #tpu.memory_space<vmem>>
      tpu.enqueue_dma source(%dma_start3A_510 : memref<128x32xf32, #tpu.memory_space<vmem>>) target(%dma_start3A_506 : memref<128x32xf32, #tpu.memory_space<hbm>>) target_semaphore(%dma_start3A_502 : memref<!tpu.dma_semaphore, #tpu.memory_space<semaphore_mem>>)
      %dma_wait3A_511 = arith.constant 1 : i32
      %dma_wait3A_512 = arith.constant 1 : i32
      %dma_wait3A_513 = arith.constant 0 : i32
      %dma_wait3A_514 = arith.constant 0 : i32
      %dma_wait3A_515 = tpu.memref_slice %arg7[%dma_wait3A_511, %dma_wait3A_513, %dma_wait3A_514] : memref<4x128x32xf32, #tpu.memory_space<vmem>> -> memref<1x128x32xf32, #tpu.memory_space<vmem>>
      %dma_wait3A_516 = tpu.memref_squeeze %dma_wait3A_515 : memref<1x128x32xf32, #tpu.memory_space<vmem>> -> memref<128x32xf32, #tpu.memory_space<vmem>>
      %dma_wait3A_517 = arith.constant 0 : i32
      %dma_wait3A_518 = arith.constant 0 : i32
      %dma_wait3A_519 = tpu.memref_slice %arg3[%dma_wait3A_517, %dma_wait3A_518] : memref<4000000x32xf32, #tpu.memory_space<hbm>> -> memref<128x32xf32, #tpu.memory_space<hbm>>
      %dma_wait3A_520 = tpu.memref_slice %arg8[%dma_wait3A_512] : memref<4x!tpu.dma_semaphore, #tpu.memory_space<semaphore_mem>> -> memref<1x!tpu.dma_semaphore, #tpu.memory_space<semaphore_mem>>
      %dma_wait3A_521 = tpu.memref_squeeze %dma_wait3A_520 : memref<1x!tpu.dma_semaphore, #tpu.memory_space<semaphore_mem>> -> memref<!tpu.dma_semaphore, #tpu.memory_space<semaphore_mem>>
      %dma_wait3A_522 = arith.constant 0 : i32
      %dma_wait3A_523 = arith.constant 0 : i32
      %dma_wait3A_524 = tpu.memref_slice %arg7[%dma_wait3A_511, %dma_wait3A_522, %dma_wait3A_523] : memref<4x128x32xf32, #tpu.memory_space<vmem>> -> memref<1x128x32xf32, #tpu.memory_space<vmem>>
      %dma_wait3A_525 = tpu.memref_squeeze %dma_wait3A_524 : memref<1x128x32xf32, #tpu.memory_space<vmem>> -> memref<128x32xf32, #tpu.memory_space<vmem>>
      %dma_wait3A_526 = arith.constant 0 : i32
      %dma_wait3A_527 = arith.constant 0 : i32
      %dma_wait3A_528 = tpu.memref_slice %arg3[%dma_wait3A_526, %dma_wait3A_527] : memref<4000000x32xf32, #tpu.memory_space<hbm>> -> memref<128x32xf32, #tpu.memory_space<hbm>>
      tpu.wait_dma2 semaphore(%dma_wait3A_521 : memref<!tpu.dma_semaphore, #tpu.memory_space<semaphore_mem>>) src(%dma_wait3A_528 : memref<128x32xf32, #tpu.memory_space<hbm>>) dst(%dma_wait3A_525 : memref<128x32xf32, #tpu.memory_space<vmem>>)
      %add3A_529 = arith.constant 1 : i32
      %add3A_530 = arith.addi %add3A_318, %add3A_529 : i32
      %dma_start3A_531 = arith.constant 1 : i32
      %dma_start3A_532 = arith.constant 1 : i32
      %dma_start3A_533 = arith.constant 0 : i32
      %dma_start3A_534 = arith.constant 0 : i32
      %dma_start3A_535 = tpu.memref_slice %arg7[%dma_start3A_531, %dma_start3A_533, %dma_start3A_534] : memref<4x128x32xf32, #tpu.memory_space<vmem>> -> memref<1x128x32xf32, #tpu.memory_space<vmem>>
      %dma_start3A_536 = tpu.memref_squeeze %dma_start3A_535 : memref<1x128x32xf32, #tpu.memory_space<vmem>> -> memref<128x32xf32, #tpu.memory_space<vmem>>
      %dma_start3A_537 = arith.constant 0 : i32
      %dma_start3A_538 = arith.constant 0 : i32
      %dma_start3A_539 = tpu.memref_slice %arg4[%add3A_530, %add3A, %dma_start3A_537, %dma_start3A_538] : memref<200x32x128x128xf32, #tpu.memory_space<hbm>> -> memref<1x1x128x32xf32, #tpu.memory_space<hbm>>
      %dma_start3A_540 = tpu.memref_squeeze %dma_start3A_539 : memref<1x1x128x32xf32, #tpu.memory_space<hbm>> -> memref<128x32xf32, #tpu.memory_space<hbm>>
      %dma_start3A_541 = tpu.memref_slice %arg9[%dma_start3A_532] : memref<4x!tpu.dma_semaphore, #tpu.memory_space<semaphore_mem>> -> memref<1x!tpu.dma_semaphore, #tpu.memory_space<semaphore_mem>>
      %dma_start3A_542 = tpu.memref_squeeze %dma_start3A_541 : memref<1x!tpu.dma_semaphore, #tpu.memory_space<semaphore_mem>> -> memref<!tpu.dma_semaphore, #tpu.memory_space<semaphore_mem>>
      %dma_start3A_543 = arith.constant 0 : i32
      %dma_start3A_544 = arith.constant 0 : i32
      %dma_start3A_545 = tpu.memref_slice %arg4[%add3A_530, %add3A, %dma_start3A_543, %dma_start3A_544] : memref<200x32x128x128xf32, #tpu.memory_space<hbm>> -> memref<1x1x128x32xf32, #tpu.memory_space<hbm>>
      %dma_start3A_546 = tpu.memref_squeeze %dma_start3A_545 : memref<1x1x128x32xf32, #tpu.memory_space<hbm>> -> memref<128x32xf32, #tpu.memory_space<hbm>>
      %dma_start3A_547 = arith.constant 0 : i32
      %dma_start3A_548 = arith.constant 0 : i32
      %dma_start3A_549 = tpu.memref_slice %arg7[%dma_start3A_531, %dma_start3A_547, %dma_start3A_548] : memref<4x128x32xf32, #tpu.memory_space<vmem>> -> memref<1x128x32xf32, #tpu.memory_space<vmem>>
      %dma_start3A_550 = tpu.memref_squeeze %dma_start3A_549 : memref<1x128x32xf32, #tpu.memory_space<vmem>> -> memref<128x32xf32, #tpu.memory_space<vmem>>
      tpu.enqueue_dma source(%dma_start3A_550 : memref<128x32xf32, #tpu.memory_space<vmem>>) target(%dma_start3A_546 : memref<128x32xf32, #tpu.memory_space<hbm>>) target_semaphore(%dma_start3A_542 : memref<!tpu.dma_semaphore, #tpu.memory_space<semaphore_mem>>)
      %dma_wait3A_551 = arith.constant 2 : i32
      %dma_wait3A_552 = arith.constant 2 : i32
      %dma_wait3A_553 = arith.constant 0 : i32
      %dma_wait3A_554 = arith.constant 0 : i32
      %dma_wait3A_555 = tpu.memref_slice %arg7[%dma_wait3A_551, %dma_wait3A_553, %dma_wait3A_554] : memref<4x128x32xf32, #tpu.memory_space<vmem>> -> memref<1x128x32xf32, #tpu.memory_space<vmem>>
      %dma_wait3A_556 = tpu.memref_squeeze %dma_wait3A_555 : memref<1x128x32xf32, #tpu.memory_space<vmem>> -> memref<128x32xf32, #tpu.memory_space<vmem>>
      %dma_wait3A_557 = arith.constant 0 : i32
      %dma_wait3A_558 = arith.constant 0 : i32
      %dma_wait3A_559 = tpu.memref_slice %arg3[%dma_wait3A_557, %dma_wait3A_558] : memref<4000000x32xf32, #tpu.memory_space<hbm>> -> memref<128x32xf32, #tpu.memory_space<hbm>>
      %dma_wait3A_560 = tpu.memref_slice %arg8[%dma_wait3A_552] : memref<4x!tpu.dma_semaphore, #tpu.memory_space<semaphore_mem>> -> memref<1x!tpu.dma_semaphore, #tpu.memory_space<semaphore_mem>>
      %dma_wait3A_561 = tpu.memref_squeeze %dma_wait3A_560 : memref<1x!tpu.dma_semaphore, #tpu.memory_space<semaphore_mem>> -> memref<!tpu.dma_semaphore, #tpu.memory_space<semaphore_mem>>
      %dma_wait3A_562 = arith.constant 0 : i32
      %dma_wait3A_563 = arith.constant 0 : i32
      %dma_wait3A_564 = tpu.memref_slice %arg7[%dma_wait3A_551, %dma_wait3A_562, %dma_wait3A_563] : memref<4x128x32xf32, #tpu.memory_space<vmem>> -> memref<1x128x32xf32, #tpu.memory_space<vmem>>
      %dma_wait3A_565 = tpu.memref_squeeze %dma_wait3A_564 : memref<1x128x32xf32, #tpu.memory_space<vmem>> -> memref<128x32xf32, #tpu.memory_space<vmem>>
      %dma_wait3A_566 = arith.constant 0 : i32
      %dma_wait3A_567 = arith.constant 0 : i32
      %dma_wait3A_568 = tpu.memref_slice %arg3[%dma_wait3A_566, %dma_wait3A_567] : memref<4000000x32xf32, #tpu.memory_space<hbm>> -> memref<128x32xf32, #tpu.memory_space<hbm>>
      tpu.wait_dma2 semaphore(%dma_wait3A_561 : memref<!tpu.dma_semaphore, #tpu.memory_space<semaphore_mem>>) src(%dma_wait3A_568 : memref<128x32xf32, #tpu.memory_space<hbm>>) dst(%dma_wait3A_565 : memref<128x32xf32, #tpu.memory_space<vmem>>)
      %add3A_569 = arith.constant 2 : i32
      %add3A_570 = arith.addi %add3A_318, %add3A_569 : i32
      %dma_start3A_571 = arith.constant 2 : i32
      %dma_start3A_572 = arith.constant 2 : i32
      %dma_start3A_573 = arith.constant 0 : i32
      %dma_start3A_574 = arith.constant 0 : i32
      %dma_start3A_575 = tpu.memref_slice %arg7[%dma_start3A_571, %dma_start3A_573, %dma_start3A_574] : memref<4x128x32xf32, #tpu.memory_space<vmem>> -> memref<1x128x32xf32, #tpu.memory_space<vmem>>
      %dma_start3A_576 = tpu.memref_squeeze %dma_start3A_575 : memref<1x128x32xf32, #tpu.memory_space<vmem>> -> memref<128x32xf32, #tpu.memory_space<vmem>>
      %dma_start3A_577 = arith.constant 0 : i32
      %dma_start3A_578 = arith.constant 0 : i32
      %dma_start3A_579 = tpu.memref_slice %arg4[%add3A_570, %add3A, %dma_start3A_577, %dma_start3A_578] : memref<200x32x128x128xf32, #tpu.memory_space<hbm>> -> memref<1x1x128x32xf32, #tpu.memory_space<hbm>>
      %dma_start3A_580 = tpu.memref_squeeze %dma_start3A_579 : memref<1x1x128x32xf32, #tpu.memory_space<hbm>> -> memref<128x32xf32, #tpu.memory_space<hbm>>
      %dma_start3A_581 = tpu.memref_slice %arg9[%dma_start3A_572] : memref<4x!tpu.dma_semaphore, #tpu.memory_space<semaphore_mem>> -> memref<1x!tpu.dma_semaphore, #tpu.memory_space<semaphore_mem>>
      %dma_start3A_582 = tpu.memref_squeeze %dma_start3A_581 : memref<1x!tpu.dma_semaphore, #tpu.memory_space<semaphore_mem>> -> memref<!tpu.dma_semaphore, #tpu.memory_space<semaphore_mem>>
      %dma_start3A_583 = arith.constant 0 : i32
      %dma_start3A_584 = arith.constant 0 : i32
      %dma_start3A_585 = tpu.memref_slice %arg4[%add3A_570, %add3A, %dma_start3A_583, %dma_start3A_584] : memref<200x32x128x128xf32, #tpu.memory_space<hbm>> -> memref<1x1x128x32xf32, #tpu.memory_space<hbm>>
      %dma_start3A_586 = tpu.memref_squeeze %dma_start3A_585 : memref<1x1x128x32xf32, #tpu.memory_space<hbm>> -> memref<128x32xf32, #tpu.memory_space<hbm>>
      %dma_start3A_587 = arith.constant 0 : i32
      %dma_start3A_588 = arith.constant 0 : i32
      %dma_start3A_589 = tpu.memref_slice %arg7[%dma_start3A_571, %dma_start3A_587, %dma_start3A_588] : memref<4x128x32xf32, #tpu.memory_space<vmem>> -> memref<1x128x32xf32, #tpu.memory_space<vmem>>
      %dma_start3A_590 = tpu.memref_squeeze %dma_start3A_589 : memref<1x128x32xf32, #tpu.memory_space<vmem>> -> memref<128x32xf32, #tpu.memory_space<vmem>>
      tpu.enqueue_dma source(%dma_start3A_590 : memref<128x32xf32, #tpu.memory_space<vmem>>) target(%dma_start3A_586 : memref<128x32xf32, #tpu.memory_space<hbm>>) target_semaphore(%dma_start3A_582 : memref<!tpu.dma_semaphore, #tpu.memory_space<semaphore_mem>>)
      %dma_wait3A_591 = arith.constant 3 : i32
      %dma_wait3A_592 = arith.constant 3 : i32
      %dma_wait3A_593 = arith.constant 0 : i32
      %dma_wait3A_594 = arith.constant 0 : i32
      %dma_wait3A_595 = tpu.memref_slice %arg7[%dma_wait3A_591, %dma_wait3A_593, %dma_wait3A_594] : memref<4x128x32xf32, #tpu.memory_space<vmem>> -> memref<1x128x32xf32, #tpu.memory_space<vmem>>
      %dma_wait3A_596 = tpu.memref_squeeze %dma_wait3A_595 : memref<1x128x32xf32, #tpu.memory_space<vmem>> -> memref<128x32xf32, #tpu.memory_space<vmem>>
      %dma_wait3A_597 = arith.constant 0 : i32
      %dma_wait3A_598 = arith.constant 0 : i32
      %dma_wait3A_599 = tpu.memref_slice %arg3[%dma_wait3A_597, %dma_wait3A_598] : memref<4000000x32xf32, #tpu.memory_space<hbm>> -> memref<128x32xf32, #tpu.memory_space<hbm>>
      %dma_wait3A_600 = tpu.memref_slice %arg8[%dma_wait3A_592] : memref<4x!tpu.dma_semaphore, #tpu.memory_space<semaphore_mem>> -> memref<1x!tpu.dma_semaphore, #tpu.memory_space<semaphore_mem>>
      %dma_wait3A_601 = tpu.memref_squeeze %dma_wait3A_600 : memref<1x!tpu.dma_semaphore, #tpu.memory_space<semaphore_mem>> -> memref<!tpu.dma_semaphore, #tpu.memory_space<semaphore_mem>>
      %dma_wait3A_602 = arith.constant 0 : i32
      %dma_wait3A_603 = arith.constant 0 : i32
      %dma_wait3A_604 = tpu.memref_slice %arg7[%dma_wait3A_591, %dma_wait3A_602, %dma_wait3A_603] : memref<4x128x32xf32, #tpu.memory_space<vmem>> -> memref<1x128x32xf32, #tpu.memory_space<vmem>>
      %dma_wait3A_605 = tpu.memref_squeeze %dma_wait3A_604 : memref<1x128x32xf32, #tpu.memory_space<vmem>> -> memref<128x32xf32, #tpu.memory_space<vmem>>
      %dma_wait3A_606 = arith.constant 0 : i32
      %dma_wait3A_607 = arith.constant 0 : i32
      %dma_wait3A_608 = tpu.memref_slice %arg3[%dma_wait3A_606, %dma_wait3A_607] : memref<4000000x32xf32, #tpu.memory_space<hbm>> -> memref<128x32xf32, #tpu.memory_space<hbm>>
      tpu.wait_dma2 semaphore(%dma_wait3A_601 : memref<!tpu.dma_semaphore, #tpu.memory_space<semaphore_mem>>) src(%dma_wait3A_608 : memref<128x32xf32, #tpu.memory_space<hbm>>) dst(%dma_wait3A_605 : memref<128x32xf32, #tpu.memory_space<vmem>>)
      %add3A_609 = arith.constant 3 : i32
      %add3A_610 = arith.addi %add3A_318, %add3A_609 : i32
      %dma_start3A_611 = arith.constant 3 : i32
      %dma_start3A_612 = arith.constant 3 : i32
      %dma_start3A_613 = arith.constant 0 : i32
      %dma_start3A_614 = arith.constant 0 : i32
      %dma_start3A_615 = tpu.memref_slice %arg7[%dma_start3A_611, %dma_start3A_613, %dma_start3A_614] : memref<4x128x32xf32, #tpu.memory_space<vmem>> -> memref<1x128x32xf32, #tpu.memory_space<vmem>>
      %dma_start3A_616 = tpu.memref_squeeze %dma_start3A_615 : memref<1x128x32xf32, #tpu.memory_space<vmem>> -> memref<128x32xf32, #tpu.memory_space<vmem>>
      %dma_start3A_617 = arith.constant 0 : i32
      %dma_start3A_618 = arith.constant 0 : i32
      %dma_start3A_619 = tpu.memref_slice %arg4[%add3A_610, %add3A, %dma_start3A_617, %dma_start3A_618] : memref<200x32x128x128xf32, #tpu.memory_space<hbm>> -> memref<1x1x128x32xf32, #tpu.memory_space<hbm>>
      %dma_start3A_620 = tpu.memref_squeeze %dma_start3A_619 : memref<1x1x128x32xf32, #tpu.memory_space<hbm>> -> memref<128x32xf32, #tpu.memory_space<hbm>>
      %dma_start3A_621 = tpu.memref_slice %arg9[%dma_start3A_612] : memref<4x!tpu.dma_semaphore, #tpu.memory_space<semaphore_mem>> -> memref<1x!tpu.dma_semaphore, #tpu.memory_space<semaphore_mem>>
      %dma_start3A_622 = tpu.memref_squeeze %dma_start3A_621 : memref<1x!tpu.dma_semaphore, #tpu.memory_space<semaphore_mem>> -> memref<!tpu.dma_semaphore, #tpu.memory_space<semaphore_mem>>
      %dma_start3A_623 = arith.constant 0 : i32
      %dma_start3A_624 = arith.constant 0 : i32
      %dma_start3A_625 = tpu.memref_slice %arg4[%add3A_610, %add3A, %dma_start3A_623, %dma_start3A_624] : memref<200x32x128x128xf32, #tpu.memory_space<hbm>> -> memref<1x1x128x32xf32, #tpu.memory_space<hbm>>
      %dma_start3A_626 = tpu.memref_squeeze %dma_start3A_625 : memref<1x1x128x32xf32, #tpu.memory_space<hbm>> -> memref<128x32xf32, #tpu.memory_space<hbm>>
      %dma_start3A_627 = arith.constant 0 : i32
      %dma_start3A_628 = arith.constant 0 : i32
      %dma_start3A_629 = tpu.memref_slice %arg7[%dma_start3A_611, %dma_start3A_627, %dma_start3A_628] : memref<4x128x32xf32, #tpu.memory_space<vmem>> -> memref<1x128x32xf32, #tpu.memory_space<vmem>>
      %dma_start3A_630 = tpu.memref_squeeze %dma_start3A_629 : memref<1x128x32xf32, #tpu.memory_space<vmem>> -> memref<128x32xf32, #tpu.memory_space<vmem>>
      tpu.enqueue_dma source(%dma_start3A_630 : memref<128x32xf32, #tpu.memory_space<vmem>>) target(%dma_start3A_626 : memref<128x32xf32, #tpu.memory_space<hbm>>) target_semaphore(%dma_start3A_622 : memref<!tpu.dma_semaphore, #tpu.memory_space<semaphore_mem>>)
    }
    %scan3A_225 = arith.constant 49 : i32
    %dma_wait3A_226 = arith.constant 0 : i32
    %dma_wait3A_227 = arith.constant 0 : i32
    %dma_wait3A_228 = arith.constant 0 : i32
    %dma_wait3A_229 = arith.constant 0 : i32
    %dma_wait3A_230 = arith.constant 0 : i32
    %dma_wait3A_231 = arith.constant 0 : i32
    %dma_wait3A_232 = tpu.memref_slice %arg7[%dma_wait3A_226, %dma_wait3A_230, %dma_wait3A_231] : memref<4x128x32xf32, #tpu.memory_space<vmem>> -> memref<1x128x32xf32, #tpu.memory_space<vmem>>
    %dma_wait3A_233 = tpu.memref_squeeze %dma_wait3A_232 : memref<1x128x32xf32, #tpu.memory_space<vmem>> -> memref<128x32xf32, #tpu.memory_space<vmem>>
    %dma_wait3A_234 = arith.constant 0 : i32
    %dma_wait3A_235 = arith.constant 0 : i32
    %dma_wait3A_236 = tpu.memref_slice %arg4[%dma_wait3A_227, %dma_wait3A_228, %dma_wait3A_234, %dma_wait3A_235] : memref<200x32x128x128xf32, #tpu.memory_space<hbm>> -> memref<1x1x128x32xf32, #tpu.memory_space<hbm>>
    %dma_wait3A_237 = tpu.memref_squeeze %dma_wait3A_236 : memref<1x1x128x32xf32, #tpu.memory_space<hbm>> -> memref<128x32xf32, #tpu.memory_space<hbm>>
    %dma_wait3A_238 = tpu.memref_slice %arg9[%dma_wait3A_229] : memref<4x!tpu.dma_semaphore, #tpu.memory_space<semaphore_mem>> -> memref<1x!tpu.dma_semaphore, #tpu.memory_space<semaphore_mem>>
    %dma_wait3A_239 = tpu.memref_squeeze %dma_wait3A_238 : memref<1x!tpu.dma_semaphore, #tpu.memory_space<semaphore_mem>> -> memref<!tpu.dma_semaphore, #tpu.memory_space<semaphore_mem>>
    %dma_wait3A_240 = arith.constant 0 : i32
    %dma_wait3A_241 = arith.constant 0 : i32
    %dma_wait3A_242 = tpu.memref_slice %arg4[%dma_wait3A_227, %dma_wait3A_228, %dma_wait3A_240, %dma_wait3A_241] : memref<200x32x128x128xf32, #tpu.memory_space<hbm>> -> memref<1x1x128x32xf32, #tpu.memory_space<hbm>>
    %dma_wait3A_243 = tpu.memref_squeeze %dma_wait3A_242 : memref<1x1x128x32xf32, #tpu.memory_space<hbm>> -> memref<128x32xf32, #tpu.memory_space<hbm>>
    %dma_wait3A_244 = arith.constant 0 : i32
    %dma_wait3A_245 = arith.constant 0 : i32
    %dma_wait3A_246 = tpu.memref_slice %arg7[%dma_wait3A_226, %dma_wait3A_244, %dma_wait3A_245] : memref<4x128x32xf32, #tpu.memory_space<vmem>> -> memref<1x128x32xf32, #tpu.memory_space<vmem>>
    %dma_wait3A_247 = tpu.memref_squeeze %dma_wait3A_246 : memref<1x128x32xf32, #tpu.memory_space<vmem>> -> memref<128x32xf32, #tpu.memory_space<vmem>>
    tpu.wait_dma2 semaphore(%dma_wait3A_239 : memref<!tpu.dma_semaphore, #tpu.memory_space<semaphore_mem>>) src(%dma_wait3A_247 : memref<128x32xf32, #tpu.memory_space<vmem>>) dst(%dma_wait3A_243 : memref<128x32xf32, #tpu.memory_space<hbm>>)
    %dma_wait3A_248 = arith.constant 1 : i32
    %dma_wait3A_249 = arith.constant 0 : i32
    %dma_wait3A_250 = arith.constant 0 : i32
    %dma_wait3A_251 = arith.constant 1 : i32
    %dma_wait3A_252 = arith.constant 0 : i32
    %dma_wait3A_253 = arith.constant 0 : i32
    %dma_wait3A_254 = tpu.memref_slice %arg7[%dma_wait3A_248, %dma_wait3A_252, %dma_wait3A_253] : memref<4x128x32xf32, #tpu.memory_space<vmem>> -> memref<1x128x32xf32, #tpu.memory_space<vmem>>
    %dma_wait3A_255 = tpu.memref_squeeze %dma_wait3A_254 : memref<1x128x32xf32, #tpu.memory_space<vmem>> -> memref<128x32xf32, #tpu.memory_space<vmem>>
    %dma_wait3A_256 = arith.constant 0 : i32
    %dma_wait3A_257 = arith.constant 0 : i32
    %dma_wait3A_258 = tpu.memref_slice %arg4[%dma_wait3A_249, %dma_wait3A_250, %dma_wait3A_256, %dma_wait3A_257] : memref<200x32x128x128xf32, #tpu.memory_space<hbm>> -> memref<1x1x128x32xf32, #tpu.memory_space<hbm>>
    %dma_wait3A_259 = tpu.memref_squeeze %dma_wait3A_258 : memref<1x1x128x32xf32, #tpu.memory_space<hbm>> -> memref<128x32xf32, #tpu.memory_space<hbm>>
    %dma_wait3A_260 = tpu.memref_slice %arg9[%dma_wait3A_251] : memref<4x!tpu.dma_semaphore, #tpu.memory_space<semaphore_mem>> -> memref<1x!tpu.dma_semaphore, #tpu.memory_space<semaphore_mem>>
    %dma_wait3A_261 = tpu.memref_squeeze %dma_wait3A_260 : memref<1x!tpu.dma_semaphore, #tpu.memory_space<semaphore_mem>> -> memref<!tpu.dma_semaphore, #tpu.memory_space<semaphore_mem>>
    %dma_wait3A_262 = arith.constant 0 : i32
    %dma_wait3A_263 = arith.constant 0 : i32
    %dma_wait3A_264 = tpu.memref_slice %arg4[%dma_wait3A_249, %dma_wait3A_250, %dma_wait3A_262, %dma_wait3A_263] : memref<200x32x128x128xf32, #tpu.memory_space<hbm>> -> memref<1x1x128x32xf32, #tpu.memory_space<hbm>>
    %dma_wait3A_265 = tpu.memref_squeeze %dma_wait3A_264 : memref<1x1x128x32xf32, #tpu.memory_space<hbm>> -> memref<128x32xf32, #tpu.memory_space<hbm>>
    %dma_wait3A_266 = arith.constant 0 : i32
    %dma_wait3A_267 = arith.constant 0 : i32
    %dma_wait3A_268 = tpu.memref_slice %arg7[%dma_wait3A_248, %dma_wait3A_266, %dma_wait3A_267] : memref<4x128x32xf32, #tpu.memory_space<vmem>> -> memref<1x128x32xf32, #tpu.memory_space<vmem>>
    %dma_wait3A_269 = tpu.memref_squeeze %dma_wait3A_268 : memref<1x128x32xf32, #tpu.memory_space<vmem>> -> memref<128x32xf32, #tpu.memory_space<vmem>>
    tpu.wait_dma2 semaphore(%dma_wait3A_261 : memref<!tpu.dma_semaphore, #tpu.memory_space<semaphore_mem>>) src(%dma_wait3A_269 : memref<128x32xf32, #tpu.memory_space<vmem>>) dst(%dma_wait3A_265 : memref<128x32xf32, #tpu.memory_space<hbm>>)
    %dma_wait3A_270 = arith.constant 2 : i32
    %dma_wait3A_271 = arith.constant 0 : i32
    %dma_wait3A_272 = arith.constant 0 : i32
    %dma_wait3A_273 = arith.constant 2 : i32
    %dma_wait3A_274 = arith.constant 0 : i32
    %dma_wait3A_275 = arith.constant 0 : i32
    %dma_wait3A_276 = tpu.memref_slice %arg7[%dma_wait3A_270, %dma_wait3A_274, %dma_wait3A_275] : memref<4x128x32xf32, #tpu.memory_space<vmem>> -> memref<1x128x32xf32, #tpu.memory_space<vmem>>
    %dma_wait3A_277 = tpu.memref_squeeze %dma_wait3A_276 : memref<1x128x32xf32, #tpu.memory_space<vmem>> -> memref<128x32xf32, #tpu.memory_space<vmem>>
    %dma_wait3A_278 = arith.constant 0 : i32
    %dma_wait3A_279 = arith.constant 0 : i32
    %dma_wait3A_280 = tpu.memref_slice %arg4[%dma_wait3A_271, %dma_wait3A_272, %dma_wait3A_278, %dma_wait3A_279] : memref<200x32x128x128xf32, #tpu.memory_space<hbm>> -> memref<1x1x128x32xf32, #tpu.memory_space<hbm>>
    %dma_wait3A_281 = tpu.memref_squeeze %dma_wait3A_280 : memref<1x1x128x32xf32, #tpu.memory_space<hbm>> -> memref<128x32xf32, #tpu.memory_space<hbm>>
    %dma_wait3A_282 = tpu.memref_slice %arg9[%dma_wait3A_273] : memref<4x!tpu.dma_semaphore, #tpu.memory_space<semaphore_mem>> -> memref<1x!tpu.dma_semaphore, #tpu.memory_space<semaphore_mem>>
    %dma_wait3A_283 = tpu.memref_squeeze %dma_wait3A_282 : memref<1x!tpu.dma_semaphore, #tpu.memory_space<semaphore_mem>> -> memref<!tpu.dma_semaphore, #tpu.memory_space<semaphore_mem>>
    %dma_wait3A_284 = arith.constant 0 : i32
    %dma_wait3A_285 = arith.constant 0 : i32
    %dma_wait3A_286 = tpu.memref_slice %arg4[%dma_wait3A_271, %dma_wait3A_272, %dma_wait3A_284, %dma_wait3A_285] : memref<200x32x128x128xf32, #tpu.memory_space<hbm>> -> memref<1x1x128x32xf32, #tpu.memory_space<hbm>>
    %dma_wait3A_287 = tpu.memref_squeeze %dma_wait3A_286 : memref<1x1x128x32xf32, #tpu.memory_space<hbm>> -> memref<128x32xf32, #tpu.memory_space<hbm>>
    %dma_wait3A_288 = arith.constant 0 : i32
    %dma_wait3A_289 = arith.constant 0 : i32
    %dma_wait3A_290 = tpu.memref_slice %arg7[%dma_wait3A_270, %dma_wait3A_288, %dma_wait3A_289] : memref<4x128x32xf32, #tpu.memory_space<vmem>> -> memref<1x128x32xf32, #tpu.memory_space<vmem>>
    %dma_wait3A_291 = tpu.memref_squeeze %dma_wait3A_290 : memref<1x128x32xf32, #tpu.memory_space<vmem>> -> memref<128x32xf32, #tpu.memory_space<vmem>>
    tpu.wait_dma2 semaphore(%dma_wait3A_283 : memref<!tpu.dma_semaphore, #tpu.memory_space<semaphore_mem>>) src(%dma_wait3A_291 : memref<128x32xf32, #tpu.memory_space<vmem>>) dst(%dma_wait3A_287 : memref<128x32xf32, #tpu.memory_space<hbm>>)
    %dma_wait3A_292 = arith.constant 3 : i32
    %dma_wait3A_293 = arith.constant 0 : i32
    %dma_wait3A_294 = arith.constant 0 : i32
    %dma_wait3A_295 = arith.constant 3 : i32
    %dma_wait3A_296 = arith.constant 0 : i32
    %dma_wait3A_297 = arith.constant 0 : i32
    %dma_wait3A_298 = tpu.memref_slice %arg7[%dma_wait3A_292, %dma_wait3A_296, %dma_wait3A_297] : memref<4x128x32xf32, #tpu.memory_space<vmem>> -> memref<1x128x32xf32, #tpu.memory_space<vmem>>
    %dma_wait3A_299 = tpu.memref_squeeze %dma_wait3A_298 : memref<1x128x32xf32, #tpu.memory_space<vmem>> -> memref<128x32xf32, #tpu.memory_space<vmem>>
    %dma_wait3A_300 = arith.constant 0 : i32
    %dma_wait3A_301 = arith.constant 0 : i32
    %dma_wait3A_302 = tpu.memref_slice %arg4[%dma_wait3A_293, %dma_wait3A_294, %dma_wait3A_300, %dma_wait3A_301] : memref<200x32x128x128xf32, #tpu.memory_space<hbm>> -> memref<1x1x128x32xf32, #tpu.memory_space<hbm>>
    %dma_wait3A_303 = tpu.memref_squeeze %dma_wait3A_302 : memref<1x1x128x32xf32, #tpu.memory_space<hbm>> -> memref<128x32xf32, #tpu.memory_space<hbm>>
    %dma_wait3A_304 = tpu.memref_slice %arg9[%dma_wait3A_295] : memref<4x!tpu.dma_semaphore, #tpu.memory_space<semaphore_mem>> -> memref<1x!tpu.dma_semaphore, #tpu.memory_space<semaphore_mem>>
    %dma_wait3A_305 = tpu.memref_squeeze %dma_wait3A_304 : memref<1x!tpu.dma_semaphore, #tpu.memory_space<semaphore_mem>> -> memref<!tpu.dma_semaphore, #tpu.memory_space<semaphore_mem>>
    %dma_wait3A_306 = arith.constant 0 : i32
    %dma_wait3A_307 = arith.constant 0 : i32
    %dma_wait3A_308 = tpu.memref_slice %arg4[%dma_wait3A_293, %dma_wait3A_294, %dma_wait3A_306, %dma_wait3A_307] : memref<200x32x128x128xf32, #tpu.memory_space<hbm>> -> memref<1x1x128x32xf32, #tpu.memory_space<hbm>>
    %dma_wait3A_309 = tpu.memref_squeeze %dma_wait3A_308 : memref<1x1x128x32xf32, #tpu.memory_space<hbm>> -> memref<128x32xf32, #tpu.memory_space<hbm>>
    %dma_wait3A_310 = arith.constant 0 : i32
    %dma_wait3A_311 = arith.constant 0 : i32
    %dma_wait3A_312 = tpu.memref_slice %arg7[%dma_wait3A_292, %dma_wait3A_310, %dma_wait3A_311] : memref<4x128x32xf32, #tpu.memory_space<vmem>> -> memref<1x128x32xf32, #tpu.memory_space<vmem>>
    %dma_wait3A_313 = tpu.memref_squeeze %dma_wait3A_312 : memref<1x128x32xf32, #tpu.memory_space<vmem>> -> memref<128x32xf32, #tpu.memory_space<vmem>>
    tpu.wait_dma2 semaphore(%dma_wait3A_305 : memref<!tpu.dma_semaphore, #tpu.memory_space<semaphore_mem>>) src(%dma_wait3A_313 : memref<128x32xf32, #tpu.memory_space<vmem>>) dst(%dma_wait3A_309 : memref<128x32xf32, #tpu.memory_space<hbm>>)
    return
  }
}

module attributes {stable_mosaic.version = 14 : i64} {
  func.func @body(%arg0: i32, %arg1: memref<32x16384xf32, #tpu.memory_space<vmem>>, %arg2: memref<16384x128xf32, #tpu.memory_space<vmem>>) attributes {dimension_semantics = [#tpu.dimension_semantics<arbitrary>], iteration_bounds = array<i64: 62>, scalar_prefetch = 0 : i64, scratch_operands = 0 : i64, tpu.core_type = #tpu.core_type<tc>, window_params = [{transform_indices = @transform_0, window_bounds = array<i64: 32, 16384>}, {transform_indices = @transform_1, window_bounds = array<i64: 16384, 128>}]} {
    %get3A = arith.constant 0 : index
    %get3A_0 = arith.constant 0 : index
    %get3A_1 = vector.load %arg1[%get3A, %get3A_0] : memref<32x16384xf32, #tpu.memory_space<vmem>>, vector<32x16384xf32>
    %transpose3A = tpu.transpose %get3A_1, [1, 0] : vector<32x16384xf32> -> vector<16384x32xf32>
    %broadcast_in_dim3A = arith.constant 0.000000e+00 : f32
    %broadcast_in_dim3A_2 = vector.broadcast %broadcast_in_dim3A : f32 to vector<16384x96xf32>
    %concatenate3A = tpu.concatenate %transpose3A, %broadcast_in_dim3A_2 in 1 : vector<16384x32xf32>, vector<16384x96xf32> -> vector<16384x128xf32>
    %swap3A = arith.constant 0 : index
    %swap3A_3 = arith.constant 0 : index
    %swap3A_4 = vector.load %arg2[%swap3A, %swap3A_3] : memref<16384x128xf32, #tpu.memory_space<vmem>>, vector<16384x128xf32>
    tpu.vector_store %arg2[%swap3A, %swap3A_3], %concatenate3A {strides = array<i32>} : memref<16384x128xf32, #tpu.memory_space<vmem>>, vector<16384x128xf32>,
    return
  }
  func.func @transform_0(%arg0: i32) -> (i32, i32) {
    %c0_i32 = arith.constant 0 : i32
    %c0_i32_0 = arith.constant 0 : i32
    return %c0_i32, %arg0 : i32, i32
  }
  func.func @transform_1(%arg0: i32) -> (i32, i32) {
    %c0_i32 = arith.constant 0 : i32
    %c0_i32_0 = arith.constant 0 : i32
    return %arg0, %c0_i32 : i32, i32
  }
}

module attributes {stable_mosaic.version = 14 : i64} {
  func.func @body(%arg0: i32, %arg1: memref<1x4096x128xf32, #tpu.memory_space<vmem>>, %arg2: memref<1x32x4096xf32, #tpu.memory_space<vmem>>) attributes {dimension_semantics = [#tpu.dimension_semantics<arbitrary>], iteration_bounds = array<i64: 200>, scalar_prefetch = 0 : i64, scratch_operands = 0 : i64, tpu.core_type = #tpu.core_type<tc>, window_params = [{transform_indices = @transform_0, window_bounds = array<i64: 1, 4096, 128>}, {transform_indices = @transform_1, window_bounds = array<i64: 1, 32, 4096>}]} {
    %get3A = arith.constant 0 : index
    %get3A_0 = arith.constant 0 : index
    %get3A_1 = arith.constant 0 : index
    %get3A_2 = vector.load %arg1[%get3A, %get3A_0, %get3A_1] : memref<1x4096x128xf32, #tpu.memory_space<vmem>>, vector<1x4096x128xf32>
    %get3A_3 = vector.shape_cast %get3A_2 : vector<1x4096x128xf32> to vector<4096x128xf32>
    %slice3A = vector.extract_strided_slice %get3A_3 {offsets = [0, 0], sizes = [4096, 32], strides = [1, 1]} : vector<4096x128xf32> to vector<4096x32xf32>
    %transpose3A = tpu.transpose %slice3A, [1, 0] : vector<4096x32xf32> -> vector<32x4096xf32>
    %swap3A = arith.constant 0 : index
    %swap3A_4 = arith.constant 0 : index
    %swap3A_5 = arith.constant 0 : index
    %swap3A_6 = vector.load %arg2[%swap3A, %swap3A_4, %swap3A_5] : memref<1x32x4096xf32, #tpu.memory_space<vmem>>, vector<1x32x4096xf32>
    %swap3A_7 = vector.shape_cast %swap3A_6 : vector<1x32x4096xf32> to vector<32x4096xf32>
    %swap3A_8 = vector.shape_cast %transpose3A : vector<32x4096xf32> to vector<1x32x4096xf32>
    tpu.vector_store %arg2[%swap3A, %swap3A_4, %swap3A_5], %swap3A_8 {strides = array<i32>} : memref<1x32x4096xf32, #tpu.memory_space<vmem>>, vector<1x32x4096xf32>,
    return
  }
  func.func @transform_0(%arg0: i32) -> (i32, i32, i32) {
    %c0_i32 = arith.constant 0 : i32
    %c0_i32_0 = arith.constant 0 : i32
    %c0_i32_1 = arith.constant 0 : i32
    return %arg0, %c0_i32, %c0_i32_0 : i32, i32, i32
  }
  func.func @transform_1(%arg0: i32) -> (i32, i32, i32) {
    %c0_i32 = arith.constant 0 : i32
    %c0_i32_0 = arith.constant 0 : i32
    %c0_i32_1 = arith.constant 0 : i32
    return %arg0, %c0_i32, %c0_i32_0 : i32, i32, i32
  }
}

</mosaic_0001>

<sc_bundles>
// kernel: kernel.5.cloned.1.call-start
scs
__scs_entry_jumppad:
0x0: {  	(pc) =	sbr.rel $0x88, $3  }
0x1: {  	(tag) =	ssettag $0x0;
	lr =	simm.s32 $0x1  }
0x2: {  	[smem:$0x3F9F] =	sst lr;
	_ =	strace $0xD0000000  }
0x3: {  	_ = 	snop  }
0x4: {  	_ = 	snop  }
0x5: {  	_ = 	snop  }
0x6: {  	_ = 	snop  }
0x7: {  	_ = 	snop  }
__scs_overlays_trampoline_lowered:
0x8: {  	[smem:$0x3FAE] =	sst s0  }
0x9: {  	[smem:$0x3FAF] =	sst s1  }
0xa: {  	[smem:$0x3FB0] =	sst s2  }
0xb: {  	[smem:$0x3FB1] =	sst s3  }
0xc: {  	[smem:$0x3FB2] =	sst s4  }
0xd: {  	[smem:$0x3FB3] =	sst s5  }
0xe: {  	[smem:$0x3FB4] =	sst s6  }
0xf: {  	[smem:$0x3FB5] =	sst s7  }
0x10: {  	[smem:$0x3FB6] =	sst s8  }
0x11: {  	[smem:$0x3FB7] =	sst s9;
	s0 =	simm.s32 @!p0 $0x0  }
0x12: {  	s1 =	sld [smem:$0x3F9D];
	s0 =	simm.s32 @p0 $0x1  }
0x13: {  	[smem:$0x3FB8] =	sst s0;
	s0 =	simm.s32 @!p1 $0x0  }
0x14: {  	s2 =	sld [smem:$0x3F9C];
	s0 =	simm.s32 @p1 $0x1  }
0x15: {  	[smem:$0x3FB9] =	sst s0;
	s0 =	simm.s32 @!p2 $0x0  }
0x16: {  	s3 =	sld [smem:$0x3FDB];
	s0 =	simm.s32 @p2 $0x1  }
0x17: {  	s4 =	simm.s32 $0x1BF5;
	[smem:$0x3FBB] =	sst s0  }
0x18: {  	s0 =	sld [smem:$0x3F9E];
	_ =	swait.ge [sflag:s4], $0x0  }
0x19: {  	s7 =	sld [smem:$0x3F9F]  }
0x1a: {  	s8 =	sadd.s32 $0xFFFFE003, lr  }
0x1b: {  	s9 =	sadd.s32 $0xFFFFFEF7, lr;
	s5 =	simm.s32 $0xFFFFFFFF;
	p2 =	slt.u32 s8, $0xFFFFF086  }
0x1c: {  	p1 =	slt.u32 s9, $0xF7A;
	s5 =	simm.s32 @!p2 $0x0  }
0x1d: {  	s5 =	simm.s32 @p1 $0x1;
	p0 =	seq.s32 s7, s2  }
0x1e: {  	s7 =	smul.u32 @!p0 $0xF7A, s2;
	p2 =	seq.s32 @!p0 s5, $0x0  }
0x1f: {  	s9 =	smul.u32 $0xF7A, s1;
	s8 =	simm.s32 @!p0 $0x1BF5;
	p2 =	por !p2, p0  }
0x20: {  	[sflag:s8] =	ssyncset.s32 @!p0 $0xFFFFF086;
	s6 =	sadd.s32 @!p0 s3, s7;
	s7 =	simm.s32 @!p0 $0x108  }
0x21: {  	s3 =	sadd.s32 s3, s9;
	s6 =	sadd.s32 @!p0 $0x88, s6;
	s7 =	simm.s32 @p2 $0x1082  }
0x22: {  	[simem:s7], [sflag:s8] =	dma.local @!p0 [hbm:s6], $0xF7A  }
0x23: {  	s9 =	sor.u32 $0xD0000000, s2;
	s6 =	simm.s32 $0x108;
	_ =	swait.ge @!p0 [sflag:s8], $0x0  }
0x24: {  	s3 =	sadd.s32 $0x88, s3;
	s6 =	simm.s32 @!p1 $0x1082;
	[sflag:s4] =	ssyncset.s32 $0xFFFFF086  }
0x25: {  	[simem:s6], [sflag:s4] =	dma.local [hbm:s3], $0xF7A  }
0x26: {  	[smem:$0x3F9F] =	sst s1;
	(tag) =	ssettag s2;
	_ =	strace s9  }
0x27: {  	s1 =	sld [smem:$0x3FAF]  }
0x28: {  	s2 =	sld [smem:$0x3FB0]  }
0x29: {  	s4 =	sld [smem:$0x3FB2]  }
0x2a: {  	p0 =	seq.s32 s5, $0x0;
	s5 =	sld [smem:$0x3FB3]  }
0x2b: {  	s6 =	sld [smem:$0x3FB4]  }
0x2c: {  	s7 =	sld [smem:$0x3FB5]  }
0x2d: {  	s3 =	simm.s32 $0x108;
	s8 =	sld [smem:$0x3FB6]  }
0x2e: {  	s3 =	simm.s32 @!p0 $0x1082;
	s9 =	sld [smem:$0x3FB7]  }
0x2f: {  	lr =	sadd.s32 s0, s3;
	s0 =	sld [smem:$0x3FAE]  }
0x30: {  	s3 =	sld [smem:$0x3FB1]  }
0x31: {  	[smem:$0x3FBA] =	sst s10  }
0x32: {  	s10 =	sld [smem:$0x3FB8];
	_ =	sdelay $0x3  }
0x33: {  	p0 =	seq.s32 s10, $0x1;
	s10 =	sld [smem:$0x3FBA];
	_ =	sdelay $0x3  }
0x34: {  	[smem:$0x3FBA] =	sst s10  }
0x35: {  	s10 =	sld [smem:$0x3FB9];
	_ =	sdelay $0x3  }
0x36: {  	p1 =	seq.s32 s10, $0x1;
	s10 =	sld [smem:$0x3FBA];
	_ =	sdelay $0x3  }
0x37: {  	[smem:$0x3FBA] =	sst s10  }
0x38: {  	s10 =	sld [smem:$0x3FBB]  }
0x39: {  	_ = 	snop;
	(pc) =	sbr.ind lr, $3  }
0x3a: {  	_ = 	snop  }
0x3b: {  	_ = 	snop  }
0x3c: {  	p2 =	seq.s32 s10, $0x1;
	s10 =	sld [smem:$0x3FBA]  }
0x3d: {  	_ =	shalt  }
0x3e: {  	_ =	shalt  }
0x3f: {  	_ =	shalt  }
0x40: {  	_ =	shalt  }
0x41: {  	_ =	shalt  }
0x42: {  	_ =	shalt  }
0x43: {  	_ =	shalt  }
0x44: {  	_ =	shalt  }
0x45: {  	_ =	shalt  }
0x46: {  	_ =	shalt  }
0x47: {  	_ =	shalt  }
0x48: {  	_ =	shalt  }
0x49: {  	_ =	shalt  }
0x4a: {  	_ =	shalt  }
0x4b: {  	_ =	shalt  }
0x4c: {  	_ =	shalt  }
0x4d: {  	_ =	shalt  }
0x4e: {  	_ =	shalt  }
0x4f: {  	_ =	shalt  }
0x50: {  	_ =	shalt  }
0x51: {  	_ =	shalt  }
0x52: {  	_ =	shalt  }
0x53: {  	_ =	shalt  }
0x54: {  	_ =	shalt  }
0x55: {  	_ =	shalt  }
0x56: {  	_ =	shalt  }
0x57: {  	_ =	shalt  }
0x58: {  	_ =	shalt  }
0x59: {  	_ =	shalt  }
0x5a: {  	_ =	shalt  }
0x5b: {  	_ =	shalt  }
0x5c: {  	_ =	shalt  }
0x5d: {  	_ =	shalt  }
0x5e: {  	_ =	shalt  }
0x5f: {  	_ =	shalt  }
0x60: {  	_ =	shalt  }
0x61: {  	_ =	shalt  }
0x62: {  	_ =	shalt  }
0x63: {  	_ =	shalt  }
0x64: {  	_ =	shalt  }
0x65: {  	_ =	shalt  }
0x66: {  	_ =	shalt  }
0x67: {  	_ =	shalt  }
0x68: {  	_ =	shalt  }
0x69: {  	_ =	shalt  }
0x6a: {  	_ =	shalt  }
0x6b: {  	_ =	shalt  }
0x6c: {  	_ =	shalt  }
0x6d: {  	_ =	shalt  }
0x6e: {  	_ =	shalt  }
0x6f: {  	_ =	shalt  }
0x70: {  	_ =	shalt  }
0x71: {  	_ =	shalt  }
0x72: {  	_ =	shalt  }
0x73: {  	_ =	shalt  }
0x74: {  	_ =	shalt  }
0x75: {  	_ =	shalt  }
0x76: {  	_ =	shalt  }
0x77: {  	_ =	shalt  }
0x78: {  	_ =	shalt  }
0x79: {  	_ =	shalt  }
0x7a: {  	_ =	shalt  }
0x7b: {  	_ =	shalt  }
0x7c: {  	_ =	shalt  }
0x7d: {  	_ =	shalt  }
0x7e: {  	_ =	shalt  }
0x7f: {  	_ =	shalt  }
0x80: {  	_ =	shalt  }
0x81: {  	_ =	shalt  }
0x82: {  	_ =	shalt  }
0x83: {  	_ =	shalt  }
0x84: {  	_ =	shalt  }
0x85: {  	_ =	shalt  }
0x86: {  	_ =	shalt  }
0x87: {  	_ =	shalt  }
.Lfunc_end0:
.L_simem_size_0:
called_computation_lowered:
.L_overlay_start_0:
0x88: {  	s2 =	sld [smem:$0x3FD9]  }
0x89: {  	s3 =	sld [smem:$0x3FFE];
	_ =	sdelay $0x1  }
0x8a: {  	s1 =	srdreg.scid  }
0x8b: {  	s0 =	sand.u32 $0x1, s1  }
0x8c: {  	s17 =	sshll.u32 s0, $0xA;
	s2 =	sadd.s32 s3, s2  }
0x8d: {  	s2 =	sadd.s32 s2, s17  }
0x8e: {  	[smem:$0x3FC6] =	sst s2  }
0x8f: {  	_ = 	snop  }
0x90: {  	s2 =	sld [smem:$0x3FD0];
	(tm) =	ssettm $0x1  }
0x91: {  	s18 =	sld [smem:$0x3FFB];
	_ =	sdelay $0x3  }
0x92: {  	_ =	strace s18  }
0x93: {  	s3 =	sld [smem:$0x3FFC];
	_ =	sdelay $0x3  }
0x94: {  	_ =	strace s3  }
0x95: {  	s3 =	sld [smem:$0x3FFD];
	_ =	sdelay $0x3  }
0x96: {  	_ =	strace s3  }
0x97: {  	_ =	strace $0x8FFFFFFF  }
0x98: {  	s19 =	sld [smem:$0x3FDB];
	_ =	sdelay $0x1  }
0x99: {  	s4 =	simm.s32 $_scs_section_size  }
0x9a: {  	s5 =	simm.s32 $_size__tile_overlayer_lowered;
	s6 =	simm.s32 $_tile_overlayer_lowered  }
0x9b: {  	s22 =	simm.s32 $0x1BFF;
	s21 =	sshll.u32 s6, $0x1;
	s3 =	sadd.s32 s4, s19  }
0x9c: {  	s7 =	simm.s32 $0x0;
	s20 =	sshll.u32 s5, $0x1;
	s5 =	sadd.s32 s21, s3  }
0x9d: {  	[timem:s7], [sflag:s22] =	dma.local [hbm:s5], s20  }
0x9e: {  	_ =	swait.ge [sflag:s22], s20  }
0x9f: {  	s4 =	ssub.s32 $0x0, s20;
	[sflag:s22] =	ssyncset.done $0x0  }
0xa0: {  	[sflag:s22] =	ssyncadd.s32 s4;
	_ =	sdelay $0x1  }
0xa1: {  	s23 =	simm.s32 $0x1B8B  }
0xa2: {  	_ =	swait.ge [sflag:s23], $0x1  }
0xa3: {  	[sflag:s23] =	ssyncset.done $0x0  }
0xa4: {  	s25 =	simm.s32 $0x1B8E;
	s24 =	sld [smem:$0x3FFE];
	[sflag:s23] =	ssyncadd.s32 $0xFFFFFFFF  }
0xa5: {  	s26 =	simm.s32 $execute0_lowered;
	[smem:$0x3FD2] =	sst s25  }
0xa6: {  	s5 =	sshll.u32 s26, $0x1;
	_ =	strace $0x80000046;
	[dreg:$0x1] =	wrdreg $0xFFFFFFFF  }
0xa7: {  	s28 =	simm.s32 $_size_execute0_lowered;
	s3 =	sadd.s32 s3, s5;
	[dreg:$0x0] =	wrdreg $0x0  }
0xa8: {  	s5 =	sshll.u32 s28, $0x1;
	[dreg:$0x2] =	wrdreg s3  }
0xa9: {  	[dreg:$0x3] =	wrdreg s5  }
0xaa: {  	[dreg:$0x4] =	wrdreg $0xC0  }
0xab: {  	_ =	task [dreg:s7], $0x5FFFF  }
0xac: {  	[dreg:$0x1] =	wrdreg $0xFFFFFFFF  }
0xad: {  	[dreg:$0x0] =	wrdreg $0x60  }
0xae: {  	[dreg:$0x2] =	wrdreg s2  }
0xaf: {  	[dreg:$0x3] =	wrdreg s24  }
0xb0: {  	[dreg:$0x4] =	wrdreg $0x9  }
0xb1: {  	_ =	task.clear_ibuf [dreg:s7], $0x5FFFF;
	_ =	strace $0x90000046  }
0xb2: {  	s29 =	simm.s32 $0x9;
	_ =	strace $0x80000048  }
0xb3: {  	_ =	swait.ge [sflag:s29], $0x1  }
0xb4: {  	[sflag:s29] =	ssyncadd.s32 $0xFFFFFFFF  }
0xb5: {  	_ =	strace $0x90000048  }
0xb6: {  	_ =	sfence  }
0xb7: {  	s30 =	sld [smem:$0x0];
	_ =	sdelay $0x2  }
0xb8: {  	s31 =	sshll.u32 s1, $0xD;
	s1 =	sshrl.u32 s1, $0x2  }
0xb9: {  	s3 =	sand.u32 $0x4000, s31;
	s1 =	sadd.s32 s1, s30  }
0xba: {  	s0 =	sor.u32 s3, s0;
	s1 =	sshll.u32 s1, $0x11  }
0xbb: {  	s0 =	sor.u32 s1, s0  }
0xbc: {  	s0 =	sadd.s32 $0x8F2B, s0  }
0xbd: {  	[sflag:s0] =	ssyncadd.remote.s32 $0x1  }
0xbe: {  	_ =	sfence.sel $0xFFFF  }
0xbf: {  	[dreg:$0x0] =	wrdreg $0xFFFFFFFF;
	(pc) =	sbr.abs _section_cstart, $3  }
0xc0: {  	[dreg:$0x1] =	wrdreg $0xFFFFFFFF  }
0xc1: {  	_ =	task.clear_ibuf [dreg:s7], $0x2FFFF;
	_ =	strace $0x9FFFFFFF  }
0xc2: {  	(tm) =	ssettm $0x7FFFFFFF  }
0xc3: {  	_ =	shalt  }
tec
execute0_lowered:
.L_overlay_start_1:
0x0: {  	(tag) =	ssettag $0x1  }
0x1: {  	s0 =	rddreg [dreg:$0x0]  }
0x2: {  	s1 =	rddreg [dreg:$0x1];
	s2 =	simm.s32 $0x0;
	s3 =	srdreg.scid  }
0x3: {  	s9 =	stileid.u32;
	s15 =	simm.s32 $0x9;
	s16 =	simm.s32 $0x80  }
0x4: {  	s18 =	simm.s32 $0xC800;
	s20 =	simm.s32 $0xD800;
	s28 =	simm.s32 $0x2  }
0x5: {  	s29 =	simm.s32 $0x3;
	s30 =	simm.s32 $0x4;
	s31 =	simm.s32 $0x5  }
0x6: {  	s17 =	simm.s32 $0x8;
	s6 =	sand.u32 $0x1, s3;
	s4 =	sshll.u32 s9, $0x1  }
0x7: {  	s19 =	simm.s32 $0x0;
	[smem:$0x7FF] =	sst s2;
	s4 =	sor.u32 s6, s4  }
0x8: {  	s3 =	sadd.s32 $0xF42800, s1;
	s8 =	smul.u32 $0xC80, s4;
	s5 =	sshll.u32 s4, $0xB  }
0x9: {  	s25 =	sshll.u32 s9, $0xF;
	_ =	strace $0x80000047;
	s5 =	sadd.s32 s3, s5  }
0xa: {  	s7 =	ssub.s32 $0x2, s6;
	s0 =	sadd.s32 s0, s8;
	[dreg:$0x3] =	wrdreg s5  }
0xb: {  	s4 =	sadd.s32 $0x400, s1;
	s23 =	sadd.s32 $0x10000, s5;
	[dreg:$0x4] =	wrdreg s0  }
0xc: {  	s22 =	sshrl.u32 s7, $0x1;
	s24 =	sadd.s32 $0x20000, s5;
	[dreg:$0x5] =	wrdreg s23  }
0xd: {  	s1 =	ssub.s32 s7, s22;
	s5 =	sadd.s32 $0x30000, s5;
	[dreg:$0x6] =	wrdreg s24  }
0xe: {  	s6 =	sshll.u32 s6, $0xE;
	s1 =	smax.u32 s1, $0x1;
	[dreg:$0x7] =	wrdreg s5  }
0xf: {  	v0 =	vlaneseq.u32;
	s22 =	simm.s32 $0xE800;
	[dreg:$0x8] =	wrdreg s1;
	s0 =	sor.u32 s6, s25  }
0x10: {  	v0 =	vmul.u32 $0xC8, v0;
	s24 =	simm.s32 $0xF800;
	s25 =	simm.s32 $0x1;
	s11 =	sor.u32 $0x200000, s0  }
0x11: {  	s26 =	sor.u32 $0x280000, s0;
	s6 =	sor.u32 $0x300000, s0;
	s0 =	sor.u32 $0x380000, s0  }
0x12: {  	v1 =	vadd.s32 $0xC80, v0;
	s1 =	sshrl.u32 s26, $0x3;
	s6 =	sshrl.u32 s6, $0x3;
	s0 =	sshrl.u32 s0, $0x3  }
0x13: {  	v2 =	vadd.s32 $0x1900, v0;
	v3 =	vadd.s32 $0x2580, v0;
	v4 =	vadd.s32 $0x3200, v0;
	s26 =	simm.s32 $0x20;
	s12 =	sadd.s32 s1, s3;
	s13 =	sadd.s32 s6, s3  }
0x14: {  	v5 =	vadd.s32 $0x3E80, v0;
	v6 =	vadd.s32 $0x4B00, v0;
	v7 =	vadd.s32 $0x5780, v0;
	s9 =	sadd.s32 s0, s3;
	s0 =	simm.s32 $0x6;
	s1 =	simm.s32 $0x7  }
.LBB2_1:
0x15: {  	v8 =	vmov s2  }
0x16: {  	v8 =	vand.u32 $0xFF, v8  }
0x17: {  	s5 =	rddreg [dreg:$0x4];
	v9 =	vadd.s32 v0, v8  }
0x18: {  	[tilespmem:s2], [sflag:$0x9] =	stream.linear.gather [hbm4b:s5+s2], $0x6400, $0x38;
	[tilespmem:$0x10800] =	vst v63  }
0x19: {  	_ =	swait.ge [sflag:s15], $0x6400  }
0x1a: {  	[sflag:s15] =	ssyncset.done $0x0  }
0x1b: {  	[sflag:s15] =	ssyncadd.s32 $0xFFFF9C00  }
0x1c: {  	v9 =	vld.idx.msk [tilespmem:v9+s2+$0x0], $0xffff;
	_ =	sdelay $0x1  }
0x1d: {  	v10 =	vadd.s32 v1, v8;
	_ =	sdelay $0x2  }
0x1e: {  	s21 =	simm.s32 $0x6440;
	v9 =	vshll.u32 v9, $0x2  }
0x1f: {  	[tilespmem:s21+$0xFFFFFFC0] =	vst v9  }
0x20: {  	v9 =	vld.idx.msk [tilespmem:v10+s2+$0x0], $0xffff;
	_ =	sdelay $0x1  }
0x21: {  	v10 =	vadd.s32 v2, v8;
	_ =	sdelay $0x2  }
0x22: {  	v9 =	vshll.u32 v9, $0x2  }
0x23: {  	[tilespmem:s21+$0xFFFFFFD0] =	vst v9  }
0x24: {  	v9 =	vld.idx.msk [tilespmem:v10+s2+$0x0], $0xffff;
	_ =	sdelay $0x1  }
0x25: {  	v10 =	vadd.s32 v3, v8;
	_ =	sdelay $0x2  }
0x26: {  	v9 =	vshll.u32 v9, $0x2  }
0x27: {  	[tilespmem:s21+$0xFFFFFFE0] =	vst v9  }
0x28: {  	v9 =	vld.idx.msk [tilespmem:v10+s2+$0x0], $0xffff;
	_ =	sdelay $0x1  }
0x29: {  	v10 =	vadd.s32 v4, v8;
	_ =	sdelay $0x2  }
0x2a: {  	v9 =	vshll.u32 v9, $0x2  }
0x2b: {  	[tilespmem:s21+$0xFFFFFFF0] =	vst v9  }
0x2c: {  	v9 =	vld.idx.msk [tilespmem:v10+s2+$0x0], $0xffff;
	_ =	sdelay $0x1  }
0x2d: {  	v10 =	vadd.s32 v5, v8;
	_ =	sdelay $0x2  }
0x2e: {  	v9 =	vshll.u32 v9, $0x2  }
0x2f: {  	[tilespmem:s21+$0x0] =	vst v9  }
0x30: {  	v9 =	vld.idx.msk [tilespmem:v10+s2+$0x0], $0xffff;
	_ =	sdelay $0x1  }
0x31: {  	v10 =	vadd.s32 v6, v8;
	_ =	sdelay $0x2  }
0x32: {  	v9 =	vshll.u32 v9, $0x2  }
0x33: {  	[tilespmem:s21+$0x10] =	vst v9  }
0x34: {  	v9 =	vld.idx.msk [tilespmem:v10+s2+$0x0], $0xffff;
	_ =	sdelay $0x1  }
0x35: {  	v8 =	vadd.s32 v7, v8;
	_ =	sdelay $0x2  }
0x36: {  	v9 =	vshll.u32 v9, $0x2  }
0x37: {  	s6 =	simm.s32 $0x1;
	[tilespmem:s21+$0x20] =	vst v9  }
0x38: {  	s23 =	simm.s32 $0x2;
	v9 =	vmov s6;
	v8 =	vld.idx.msk [tilespmem:v8+s2+$0x0], $0xffff  }
.LBB2_2:
0x39: {  	p0 =	sne.s32 s23, $0xC7;
	v9 =	vand.u32 $0xFF, v9  }
0x3a: {  	v10 =	vadd.s32 v0, v9;
	_ =	sdelay $0x2  }
0x3b: {  	v8 =	vshll.u32 v8, $0x2  }
0x3c: {  	[tilespmem:s21+$0x30] =	vst v8  }
0x3d: {  	v8 =	vld.idx.msk [tilespmem:v10+s2+$0x0], $0xffff;
	_ =	sdelay $0x2  }
0x3e: {  	v10 =	vadd.s32 v1, v9;
	_ =	sdelay $0x2  }
0x3f: {  	s21 =	sadd.s32 $0x80, s21;
	v8 =	vshll.u32 v8, $0x2  }
0x40: {  	[tilespmem:s21+$0xFFFFFFC0] =	vst v8  }
0x41: {  	v8 =	vld.idx.msk [tilespmem:v10+s2+$0x0], $0xffff;
	_ =	sdelay $0x2  }
0x42: {  	v10 =	vadd.s32 v2, v9;
	_ =	sdelay $0x2  }
0x43: {  	v8 =	vshll.u32 v8, $0x2  }
0x44: {  	[tilespmem:s21+$0xFFFFFFD0] =	vst v8  }
0x45: {  	v8 =	vld.idx.msk [tilespmem:v10+s2+$0x0], $0xffff;
	_ =	sdelay $0x2  }
0x46: {  	v10 =	vadd.s32 v3, v9;
	_ =	sdelay $0x2  }
0x47: {  	v8 =	vshll.u32 v8, $0x2  }
0x48: {  	[tilespmem:s21+$0xFFFFFFE0] =	vst v8  }
0x49: {  	v8 =	vld.idx.msk [tilespmem:v10+s2+$0x0], $0xffff;
	_ =	sdelay $0x2  }
0x4a: {  	v10 =	vadd.s32 v4, v9;
	_ =	sdelay $0x2  }
0x4b: {  	v8 =	vshll.u32 v8, $0x2  }
0x4c: {  	[tilespmem:s21+$0xFFFFFFF0] =	vst v8  }
0x4d: {  	v8 =	vld.idx.msk [tilespmem:v10+s2+$0x0], $0xffff;
	_ =	sdelay $0x2  }
0x4e: {  	v10 =	vadd.s32 v5, v9;
	_ =	sdelay $0x2  }
0x4f: {  	v8 =	vshll.u32 v8, $0x2  }
0x50: {  	[tilespmem:s21+$0x0] =	vst v8  }
0x51: {  	v8 =	vld.idx.msk [tilespmem:v10+s2+$0x0], $0xffff;
	_ =	sdelay $0x2  }
0x52: {  	v10 =	vadd.s32 v6, v9;
	_ =	sdelay $0x2  }
0x53: {  	v8 =	vshll.u32 v8, $0x2  }
0x54: {  	[tilespmem:s21+$0x10] =	vst v8  }
0x55: {  	v8 =	vld.idx.msk [tilespmem:v10+s2+$0x0], $0xffff;
	_ =	sdelay $0x2  }
0x56: {  	v9 =	vadd.s32 v7, v9;
	_ =	sdelay $0x1  }
.Ltmp0:
0x57: {  	(pc) =	sbr.rel @p0 .LBB2_2-.Ltmp0, $4  }
0x58: {  	v8 =	vshll.u32 v8, $0x2  }
0x59: {  	[tilespmem:s21+$0x20] =	vst v8  }
0x5a: {  	v8 =	vld.idx.msk [tilespmem:v9+s2+$0x0], $0xffff  }
0x5b: {  	v9 =	vmov s23;
	s23 =	sadd.s32 $0x1, s23  }
0x5c: {  	v9 =	vand.u32 $0xFF, v9  }
0x5d: {  	v10 =	vadd.s32 v0, v9;
	_ =	sdelay $0x2  }
0x5e: {  	v8 =	vshll.u32 v8, $0x2  }
0x5f: {  	[tilespmem:s21+$0x30] =	vst v8  }
0x60: {  	v8 =	vld.idx.msk [tilespmem:v10+s2+$0x0], $0xffff;
	_ =	sdelay $0x1  }
0x61: {  	v58 =	vadd.s32 v1, v9;
	_ =	sdelay $0x2  }
0x62: {  	s6 =	sadd.s32 $0x80, s21;
	v8 =	vshll.u32 v8, $0x2  }
0x63: {  	[tilespmem:s6+$0xFFFFFFC0] =	vst v8  }
0x64: {  	v8 =	vld.idx.msk [tilespmem:v58+s2+$0x0], $0xffff;
	_ =	sdelay $0x1  }
0x65: {  	v59 =	vadd.s32 v2, v9;
	_ =	sdelay $0x2  }
0x66: {  	v8 =	vshll.u32 v8, $0x2  }
0x67: {  	[tilespmem:s6+$0xFFFFFFD0] =	vst v8  }
0x68: {  	v8 =	vld.idx.msk [tilespmem:v59+s2+$0x0], $0xffff;
	_ =	sdelay $0x1  }
0x69: {  	v60 =	vadd.s32 v3, v9;
	_ =	sdelay $0x2  }
0x6a: {  	v8 =	vshll.u32 v8, $0x2  }
0x6b: {  	[tilespmem:s6+$0xFFFFFFE0] =	vst v8  }
0x6c: {  	v8 =	vld.idx.msk [tilespmem:v60+s2+$0x0], $0xffff;
	_ =	sdelay $0x1  }
0x6d: {  	v61 =	vadd.s32 v4, v9;
	_ =	sdelay $0x2  }
0x6e: {  	v8 =	vshll.u32 v8, $0x2  }
0x6f: {  	[tilespmem:s6+$0xFFFFFFF0] =	vst v8  }
0x70: {  	v8 =	vld.idx.msk [tilespmem:v61+s2+$0x0], $0xffff;
	_ =	sdelay $0x1  }
0x71: {  	v62 =	vadd.s32 v5, v9;
	_ =	sdelay $0x2  }
0x72: {  	v8 =	vshll.u32 v8, $0x2  }
0x73: {  	[tilespmem:s6+$0x0] =	vst v8  }
0x74: {  	v8 =	vld.idx.msk [tilespmem:v62+s2+$0x0], $0xffff;
	_ =	sdelay $0x1  }
0x75: {  	v63 =	vadd.s32 v6, v9;
	_ =	sdelay $0x2  }
0x76: {  	v8 =	vshll.u32 v8, $0x2  }
0x77: {  	[tilespmem:s6+$0x10] =	vst v8  }
0x78: {  	v8 =	vld.idx.msk [tilespmem:v63+s2+$0x0], $0xffff;
	_ =	sdelay $0x1  }
0x79: {  	v9 =	vadd.s32 v7, v9;
	_ =	sdelay $0x2  }
0x7a: {  	v8 =	vshll.u32 v8, $0x2  }
0x7b: {  	[tilespmem:s6+$0x20] =	vst v8  }
0x7c: {  	v8 =	vld.idx.msk [tilespmem:v9+s2+$0x0], $0xffff;
	_ =	sdelay $0x4  }
0x7d: {  	v8 =	vshll.u32 v8, $0x2  }
0x7e: {  	s5 =	simm.s32 $0x6400;
	[tilespmem:s6+$0x30] =	vst v8  }
0x7f: {  	[tilespmem:s18], [sflag:$0x1] =	stream.indirect.gather [hbm4b:s4+s16], $0x20, s5, s16, $0xb8;
	[tilespmem:$0x10800] =	vst v63  }
0x80: {  	s8 =	simm.s32 $0x6480  }
0x81: {  	[tilespmem:s20], [sflag:$0x2] =	stream.indirect.gather [hbm4b:s4+s16], $0x20, s8, s16, $0xb8;
	[tilespmem:$0x10800] =	vst v63  }
0x82: {  	s10 =	simm.s32 $0x6500  }
0x83: {  	[tilespmem:s22], [sflag:$0x3] =	stream.indirect.gather [hbm4b:s4+s16], $0x20, s10, s16, $0xb8;
	[tilespmem:$0x10800] =	vst v63  }
0x84: {  	s14 =	simm.s32 $0x6580  }
0x85: {  	[tilespmem:s24], [sflag:$0x4] =	stream.indirect.gather [hbm4b:s4+s16], $0x20, s14, s16, $0xb8;
	[tilespmem:$0x10800] =	vst v63  }
0x86: {  	_ =	swait.ge [sflag:s25], $0x1000  }
0x87: {  	[sflag:s25] =	ssyncset.done $0x0  }
0x88: {  	s21 =	rddreg [dreg:$0x3];
	[sflag:s25] =	ssyncadd.s32 $0xFFFFF000  }
0x89: {  	[hbm4b:s21+s26] =	stream.strided.scatter [tilespmem:s18], [sflag:$0x5], $0x1000, s16, s26, $0x38;
	[tilespmem:$0x10800] =	vst v63  }
0x8a: {  	_ =	swait.ge [sflag:s28], $0x1000  }
0x8b: {  	[sflag:s28] =	ssyncset.done $0x0  }
0x8c: {  	s23 =	rddreg [dreg:$0x5];
	[sflag:s28] =	ssyncadd.s32 $0xFFFFF000  }
0x8d: {  	[hbm4b:s23+s26] =	stream.strided.scatter [tilespmem:s20], [sflag:$0x6], $0x1000, s16, s26, $0x38;
	[tilespmem:$0x10800] =	vst v63  }
0x8e: {  	_ =	swait.ge [sflag:s29], $0x1000  }
0x8f: {  	[sflag:s29] =	ssyncset.done $0x0  }
0x90: {  	s6 =	rddreg [dreg:$0x6];
	[sflag:s29] =	ssyncadd.s32 $0xFFFFF000  }
0x91: {  	[hbm4b:s6+s26] =	stream.strided.scatter [tilespmem:s22], [sflag:$0x7], $0x1000, s16, s26, $0x38;
	[tilespmem:$0x10800] =	vst v63  }
0x92: {  	_ =	swait.ge [sflag:s30], $0x1000  }
0x93: {  	[sflag:s30] =	ssyncset.done $0x0  }
0x94: {  	s7 =	rddreg [dreg:$0x7];
	[sflag:s30] =	ssyncadd.s32 $0xFFFFF000  }
0x95: {  	[hbm4b:s7+s26] =	stream.strided.scatter [tilespmem:s24], [sflag:$0x8], $0x1000, s16, s26, $0x38;
	[tilespmem:$0x10800] =	vst v63  }
0x96: {  	_ =	swait.ge [sflag:s31], $0x1000  }
0x97: {  	[sflag:s31] =	ssyncset.done $0x0  }
0x98: {  	s8 =	simm.s32 $0x6600;
	[sflag:s31] =	ssyncadd.s32 $0xFFFFF000  }
0x99: {  	[tilespmem:s18], [sflag:$0x1] =	stream.indirect.gather [hbm4b:s4+s16], $0x20, s8, s16, $0xb8;
	[tilespmem:$0x10800] =	vst v63  }
0x9a: {  	_ =	swait.ge [sflag:s0], $0x1000  }
0x9b: {  	[sflag:s0] =	ssyncset.done $0x0  }
0x9c: {  	s10 =	simm.s32 $0x6680;
	[sflag:s0] =	ssyncadd.s32 $0xFFFFF000  }
0x9d: {  	[tilespmem:s20], [sflag:$0x2] =	stream.indirect.gather [hbm4b:s4+s16], $0x20, s10, s16, $0xb8;
	[tilespmem:$0x10800] =	vst v63  }
0x9e: {  	_ =	swait.ge [sflag:s1], $0x1000  }
0x9f: {  	[sflag:s1] =	ssyncset.done $0x0  }
0xa0: {  	s14 =	simm.s32 $0x6700;
	[sflag:s1] =	ssyncadd.s32 $0xFFFFF000  }
0xa1: {  	[tilespmem:s22], [sflag:$0x3] =	stream.indirect.gather [hbm4b:s4+s16], $0x20, s14, s16, $0xb8;
	[tilespmem:$0x10800] =	vst v63  }
0xa2: {  	_ =	swait.ge [sflag:s17], $0x1000  }
0xa3: {  	[sflag:s17] =	ssyncset.done $0x0  }
0xa4: {  	s21 =	simm.s32 $0x6780;
	[sflag:s17] =	ssyncadd.s32 $0xFFFFF000  }
0xa5: {  	[tilespmem:s24], [sflag:$0x4] =	stream.indirect.gather [hbm4b:s4+s16], $0x20, s21, s16, $0xb8;
	[tilespmem:$0x10800] =	vst v63  }
0xa6: {  	_ =	swait.ge [sflag:s25], $0x1000  }
0xa7: {  	s23 =	sshrl.u32 s11, $0x3;
	[sflag:s25] =	ssyncset.done $0x0  }
0xa8: {  	s6 =	sadd.s32 s3, s23;
	[sflag:s25] =	ssyncadd.s32 $0xFFFFF000  }
0xa9: {  	[hbm4b:s6+s26] =	stream.strided.scatter [tilespmem:s18], [sflag:$0x5], $0x1000, s16, s26, $0x38;
	[tilespmem:$0x10800] =	vst v63  }
0xaa: {  	_ =	swait.ge [sflag:s28], $0x1000  }
0xab: {  	[sflag:s28] =	ssyncset.done $0x0  }
0xac: {  	[sflag:s28] =	ssyncadd.s32 $0xFFFFF000  }
0xad: {  	[hbm4b:s12+s26] =	stream.strided.scatter [tilespmem:s20], [sflag:$0x6], $0x1000, s16, s26, $0x38;
	[tilespmem:$0x10800] =	vst v63  }
0xae: {  	_ =	swait.ge [sflag:s29], $0x1000  }
0xaf: {  	[sflag:s29] =	ssyncset.done $0x0  }
0xb0: {  	[sflag:s29] =	ssyncadd.s32 $0xFFFFF000  }
0xb1: {  	[hbm4b:s13+s26] =	stream.strided.scatter [tilespmem:s22], [sflag:$0x7], $0x1000, s16, s26, $0x38;
	[tilespmem:$0x10800] =	vst v63  }
0xb2: {  	s23 =	sadd.s32 $0x40000, s13;
	s7 =	sadd.s32 $0x200000, s11;
	_ =	swait.ge [sflag:s30], $0x1000  }
0xb3: {  	s8 =	sadd.s32 $0x40000, s12;
	s14 =	smov.u32 s9;
	[sflag:s30] =	ssyncset.done $0x0  }
0xb4: {  	s21 =	simm.s32 $0x800;
	s6 =	sadd.s32 $0x40000, s9;
	[sflag:s30] =	ssyncadd.s32 $0xFFFFF000  }
.LBB2_4:
0xb5: {  	[hbm4b:s14+s26] =	stream.strided.scatter [tilespmem:s24], [sflag:$0x8], $0x1000, s16, s26, $0x38;
	[tilespmem:$0x10800] =	vst v63  }
0xb6: {  	s10 =	smov.u32 s21;
	s14 =	smov.u32 s6  }
0xb7: {  	p0 =	sne.s32 s21, $0x18000;
	s21 =	sadd.s32 $0x800, s21;
	_ =	swait.ge [sflag:s31], $0x1000  }
0xb8: {  	s10 =	sshra.s32 s10, $0x2;
	[sflag:s31] =	ssyncset.done $0x0  }
0xb9: {  	s5 =	sadd.s32 $0x6600, s10;
	[sflag:s31] =	ssyncadd.s32 $0xFFFFF000  }
0xba: {  	[tilespmem:s18], [sflag:$0x1] =	stream.indirect.gather [hbm4b:s4+s16], $0x20, s5, s16, $0xb8;
	[tilespmem:$0x10800] =	vst v63  }
0xbb: {  	_ =	swait.ge [sflag:s0], $0x1000  }
0xbc: {  	[sflag:s0] =	ssyncset.done $0x0  }
0xbd: {  	s5 =	sadd.s32 $0x6680, s10;
	[sflag:s0] =	ssyncadd.s32 $0xFFFFF000  }
0xbe: {  	[tilespmem:s20], [sflag:$0x2] =	stream.indirect.gather [hbm4b:s4+s16], $0x20, s5, s16, $0xb8;
	[tilespmem:$0x10800] =	vst v63  }
0xbf: {  	_ =	swait.ge [sflag:s1], $0x1000  }
0xc0: {  	[sflag:s1] =	ssyncset.done $0x0  }
0xc1: {  	s5 =	sadd.s32 $0x6700, s10;
	[sflag:s1] =	ssyncadd.s32 $0xFFFFF000  }
0xc2: {  	[tilespmem:s22], [sflag:$0x3] =	stream.indirect.gather [hbm4b:s4+s16], $0x20, s5, s16, $0xb8;
	[tilespmem:$0x10800] =	vst v63  }
0xc3: {  	_ =	swait.ge [sflag:s17], $0x1000  }
0xc4: {  	[sflag:s17] =	ssyncset.done $0x0  }
0xc5: {  	s5 =	sadd.s32 $0x6780, s10;
	[sflag:s17] =	ssyncadd.s32 $0xFFFFF000  }
0xc6: {  	[tilespmem:s24], [sflag:$0x4] =	stream.indirect.gather [hbm4b:s4+s16], $0x20, s5, s16, $0xb8;
	[tilespmem:$0x10800] =	vst v63  }
0xc7: {  	_ =	swait.ge [sflag:s25], $0x1000  }
0xc8: {  	s5 =	sshrl.u32 s7, $0x3;
	[sflag:s25] =	ssyncset.done $0x0  }
0xc9: {  	s5 =	sadd.s32 s3, s5;
	[sflag:s25] =	ssyncadd.s32 $0xFFFFF000  }
0xca: {  	[hbm4b:s5+s26] =	stream.strided.scatter [tilespmem:s18], [sflag:$0x5], $0x1000, s16, s26, $0x38;
	[tilespmem:$0x10800] =	vst v63  }
0xcb: {  	_ =	swait.ge [sflag:s28], $0x1000  }
0xcc: {  	[sflag:s28] =	ssyncset.done $0x0  }
0xcd: {  	[sflag:s28] =	ssyncadd.s32 $0xFFFFF000  }
0xce: {  	[hbm4b:s8+s26] =	stream.strided.scatter [tilespmem:s20], [sflag:$0x6], $0x1000, s16, s26, $0x38;
	[tilespmem:$0x10800] =	vst v63  }
0xcf: {  	_ =	swait.ge [sflag:s29], $0x1000  }
0xd0: {  	[sflag:s29] =	ssyncset.done $0x0  }
.Ltmp1:
0xd1: {  	[sflag:s29] =	ssyncadd.s32 $0xFFFFF000;
	(pc) =	sbr.rel @p0 .LBB2_4-.Ltmp1, $4  }
0xd2: {  	[hbm4b:s23+s26] =	stream.strided.scatter [tilespmem:s22], [sflag:$0x7], $0x1000, s16, s26, $0x38;
	[tilespmem:$0x10800] =	vst v63  }
0xd3: {  	_ =	swait.ge [sflag:s30], $0x1000  }
0xd4: {  	s6 =	sadd.s32 $0x40000, s6;
	s23 =	sadd.s32 $0x40000, s23;
	[sflag:s30] =	ssyncset.done $0x0  }
0xd5: {  	s7 =	sadd.s32 $0x200000, s7;
	s8 =	sadd.s32 $0x40000, s8;
	[sflag:s30] =	ssyncadd.s32 $0xFFFFF000  }
0xd6: {  	[hbm4b:s14+s26] =	stream.strided.scatter [tilespmem:s24], [sflag:$0x8], $0x1000, s16, s26, $0x38;
	[tilespmem:$0x10800] =	vst v63  }
0xd7: {  	_ =	swait.ge [sflag:s31], $0x1000  }
0xd8: {  	[sflag:s31] =	ssyncset.done $0x0  }
0xd9: {  	[sflag:s31] =	ssyncadd.s32 $0xFFFFF000  }
0xda: {  	_ =	swait.ge [sflag:s0], $0x1000  }
0xdb: {  	[sflag:s0] =	ssyncset.done $0x0  }
0xdc: {  	[sflag:s0] =	ssyncadd.s32 $0xFFFFF000  }
0xdd: {  	_ =	swait.ge [sflag:s1], $0x1000  }
0xde: {  	[sflag:s1] =	ssyncset.done $0x0  }
0xdf: {  	[sflag:s1] =	ssyncadd.s32 $0xFFFFF000  }
0xe0: {  	_ =	swait.ge [sflag:s17], $0x1000  }
0xe1: {  	s19 =	sadd.s32 $0x1, s19;
	s5 =	rddreg [dreg:$0x8]  }
0xe2: {  	p0 =	sne.s32 s19, s5  }
.Ltmp2:
0xe3: {  	_ = 	snop;
	(pc) =	sbr.rel @p0 .LBB2_1-.Ltmp2, $3  }
0xe4: {  	_ =	sdelay $0x1  }
0xe5: {  	[sflag:s17] =	ssyncset.done $0x0  }
0xe6: {  	[sflag:s17] =	ssyncadd.s32 $0xFFFFF000  }
0xe7: {  	_ =	sfence.sel $0x180000  }
0xe8: {  	[bflag:$0x0] =	sbarrier.arrive $0xFFFF  }
0xe9: {  	_ =	strace $0x90000047  }
0xea: {  	s0 =	stileid.u32;
	[bflag:$0x2] =	sbarrier.arrive $0xFFFF  }
0xeb: {  	p0 =	sne.s32 s0, $0x0;
	s0 =	rddreg [dreg:$0x2]  }
0xec: {  	s0 =	sadd.s32 @!p0 $0x100000, s0  }
0xed: {  	[sflag:s0] =	ssyncadd.tile.s32 @!p0 $0x1;
	_ =	shalt  }
.Lfunc_end2:
_tile_overlayer_lowered:
.L_overlay_start_2:
0xee: {  	(tag) =	ssettag $0x2  }
0xef: {  	s0 =	rddreg [dreg:$0x0];
	s2 =	stileid.u32  }
0xf0: {  	s1 =	rddreg [dreg:$0x1];
	p0 =	sne.s32 s2, $0x0  }
0xf1: {  	s3 =	rddreg [dreg:$0x2];
	[bflag:$0x3] =	sbarrier.arrive $0xFFFF;
	s2 =	simm.s32 @!p0 $0x1C09  }
0xf2: {  	[timem:s3], [sflag:s2] =	dma.local @!p0 [hbm:s0], s1  }
0xf3: {  	s0 =	simm.s32 @!p0 $0x9  }
0xf4: {  	_ =	swait.ge @!p0 [sflag:s0], s1  }
0xf5: {  	s1 =	ssub.s32 @!p0 $0x0, s1;
	[sflag:s0] =	ssyncset.done @!p0 $0x0  }
0xf6: {  	[sflag:s0] =	ssyncadd.s32 @!p0 s1  }
0xf7: {  	[bflag:$0x3] =	sbarrier.arrive $0xFFFF  }
0xf8: {  	_ =	shalt  }

</sc_bundles>
